<compile_context>
chip_gen: v7x
topology: tpu7x:2x2x1
jax: 0.10.2.dev20260603
libtpu: 0.0.44.dev20260713+nightly
codegen_flags: <defaults>
</compile_context>

<pallas_src>
import functools

import jax
import jax.numpy as jnp
from jax import lax
from jax.experimental import pallas as pl
from jax.experimental.pallas import tpu as pltpu
from jax.experimental.pallas import tpu_sc as plsc

_D = 64
_NW = 32
_GRP = 2
_CW = 256


@functools.lru_cache(maxsize=None)
def _make_gather(nb: int, hist: int):
    npw = nb * hist // _NW
    nch = npw // _CW
    ngrp = nch // _GRP
    assert ngrp >= 3 and nch % _GRP == 0
    mesh = plsc.VectorSubcoreMesh(core_axis_name="c", subcore_axis_name="s")

    @functools.partial(
        pl.kernel,
        mesh=mesh,
        compiler_params=pltpu.CompilerParams(use_tc_tiling_on_sc=False),
        out_type=jax.ShapeDtypeStruct((nb * hist, 2 * _D), jnp.float32),
        scratch_types=[
            pltpu.VMEM((npw,), jnp.int32),
            pltpu.VMEM((2 * _GRP, _CW, _D), jnp.float32),
            pltpu.SemaphoreType.DMA((2 * _GRP,)),
            pltpu.SemaphoreType.DMA((2 * _GRP,)),
        ],
    )
    def k(table_hbm, idx_hbm, out_hbm, idx_v, buf, gs, ws):
        c = lax.axis_index("c")
        s = lax.axis_index("s")
        wid = s * 2 + c
        pos0 = wid * npw
        pltpu.sync_copy(idx_hbm.at[pl.ds(pos0, npw)], idx_v)

        def gather(ch, bb):
            pltpu.async_copy(
                table_hbm.at[idx_v.at[pl.ds(ch * _CW, _CW)]],
                buf.at[bb], gs.at[bb])

        def gwait(bb):
            pltpu.make_async_copy(
                table_hbm.at[idx_v.at[pl.ds(0, _CW)]],
                buf.at[bb], gs.at[bb]).wait()

        def write(ch, bb):
            pltpu.async_copy(
                buf.at[bb],
                out_hbm.at[pl.ds(pos0 + ch * _CW, _CW), pl.ds(0, _D)],
                ws.at[bb])

        def wwait(bb):
            pltpu.make_async_copy(
                buf.at[bb],
                out_hbm.at[pl.ds(0, _CW), pl.ds(0, _D)], ws.at[bb]).wait()

        for b in range(_GRP):
            gather(b, b)
        for b in range(_GRP):
            gather(_GRP + b, _GRP + b)

        def body(g, carry):
            bs = (g % 2) * _GRP
            for b in range(_GRP):
                gwait(bs + b)
                write(g * _GRP + b, bs + b)
            for b in range(_GRP):
                wwait(bs + b)
                gather((g + 2) * _GRP + b, bs + b)
            return carry

        lax.fori_loop(0, ngrp - 2, body, 0)

        for g in (ngrp - 2, ngrp - 1):
            bs = (g % 2) * _GRP
            for b in range(_GRP):
                gwait(bs + b)
                write(g * _GRP + b, bs + b)
            for b in range(_GRP):
                wwait(bs + b)

    return k


def kernel(indices, weight):
    nb, hist = indices.shape
    out = _make_gather(nb, hist)(weight, indices.reshape(-1).astype(jnp.int32))
    return out.reshape(nb, hist, 2 * _D)[:, :, :_D]

# --- scband reference (transcript-rebuilt; emitter-appended) ---
"""Pipeline reference for scband-app-item-embedding-22823456211551 (READ-ONLY COPY).

The authoritative reference and input builder live on the scoring server;
editing this copy changes nothing except your own understanding.
"""

import jax, jax.numpy as jnp
import numpy as np

APP_NUM = 1000000
EMBED_SIZE = 64
BATCH = 4096
HIST_LEN = 200


def setup_inputs(seed: int = 0) -> dict:
    key = jax.random.key(seed)
    k_idx, k_w = jax.random.split(key)
    indices = jax.random.randint(k_idx, (BATCH, HIST_LEN), 0, APP_NUM, dtype=jnp.int64 if jax.config.jax_enable_x64 else jnp.int32)
    weight = jax.random.normal(k_w, (APP_NUM, EMBED_SIZE), dtype=jnp.float32)
    return {"indices": indices, "weight": weight}


def reference(indices, weight):
    # nn.Embedding forward: gather rows of the weight table by index.
    # padding_idx is None, so no zero-masking is applied.
    return jnp.take(weight, indices, axis=0)

if __name__ == "__main__":
    import jax
    _d = setup_inputs()
    print(jax.jit(kernel)(*tuple(_d.values())))

</pallas_src>

<mosaic_0001>
#map = affine_map<(d0, d1) -> (0, 0)>
#map1 = affine_map<(d0, d1) -> (0)>
module attributes {stable_mosaic.version = 14 : i64} {
  func.func @k(%arg0: i32, %arg1: i32, %arg2: memref<1000000x64xf32, #tpu.memory_space<hbm>>, %arg3: memref<819200xi32, #tpu.memory_space<hbm>>, %arg4: memref<819200x128xf32, #tpu.memory_space<hbm>>, %arg5: memref<25600xi32, #tpu.memory_space<vmem>>, %arg6: memref<4x256x64xf32, #tpu.memory_space<vmem>>, %arg7: memref<4x!tpu.dma_semaphore, #tpu.memory_space<semaphore_mem>>, %arg8: memref<4x!tpu.dma_semaphore, #tpu.memory_space<semaphore_mem>>) attributes {dimension_semantics = [#tpu.dimension_semantics<core_parallel>, #tpu.dimension_semantics<subcore_parallel>], iteration_bounds = array<i64: 2, 16>, scalar_prefetch = 0 : i64, scratch_operands = 4 : i64, tpu.core_type = #tpu.core_type<sc_vector_subcore>, window_params = [{transform_indices = #map}, {transform_indices = #map1}, {transform_indices = #map}]} {
    %mul3A = arith.constant 2 : i32
    %mul3A_0 = arith.muli %arg1, %mul3A : i32
    %add3A = arith.addi %mul3A_0, %arg0 : i32
    %mul3A_1 = arith.constant 25600 : i32
    %mul3A_2 = arith.muli %add3A, %mul3A_1 : i32
    "tpu.region"() ({
      %run_scoped3A = tpu.sem_alloc : memref<!tpu.dma_semaphore, #tpu.memory_space<semaphore_mem>>
      %dma_start3A_254 = tpu.memref_slice %arg3[%mul3A_2] : memref<819200xi32, #tpu.memory_space<hbm>> -> memref<25600xi32, #tpu.memory_space<hbm>>
      %dma_start3A_255 = tpu.memref_slice %arg3[%mul3A_2] : memref<819200xi32, #tpu.memory_space<hbm>> -> memref<25600xi32, #tpu.memory_space<hbm>>
      tpu.enqueue_dma source(%dma_start3A_255 : memref<25600xi32, #tpu.memory_space<hbm>>) target(%arg5 : memref<25600xi32, #tpu.memory_space<vmem>>) target_semaphore(%run_scoped3A : memref<!tpu.dma_semaphore, #tpu.memory_space<semaphore_mem>>)
      %dma_wait3A_256 = tpu.memref_slice %arg3[%mul3A_2] : memref<819200xi32, #tpu.memory_space<hbm>> -> memref<25600xi32, #tpu.memory_space<hbm>>
      %dma_wait3A_257 = tpu.memref_slice %arg3[%mul3A_2] : memref<819200xi32, #tpu.memory_space<hbm>> -> memref<25600xi32, #tpu.memory_space<hbm>>
      tpu.wait_dma2 semaphore(%run_scoped3A : memref<!tpu.dma_semaphore, #tpu.memory_space<semaphore_mem>>) src(%dma_wait3A_257 : memref<25600xi32, #tpu.memory_space<hbm>>) dst(%arg5 : memref<25600xi32, #tpu.memory_space<vmem>>)
      tpu.yield
    }) : () -> ()
    %dma_start3A = arith.constant 0 : i32
    %dma_start3A_3 = arith.constant 0 : i32
    %dma_start3A_4 = arith.constant 0 : i32
    %dma_start3A_5 = arith.constant 0 : i32
    %dma_start3A_6 = tpu.memref_slice %arg6[%dma_start3A, %dma_start3A_4, %dma_start3A_5] : memref<4x256x64xf32, #tpu.memory_space<vmem>> -> memref<1x256x64xf32, #tpu.memory_space<vmem>>
    %dma_start3A_7 = tpu.memref_squeeze %dma_start3A_6 : memref<1x256x64xf32, #tpu.memory_space<vmem>> -> memref<256x64xf32, #tpu.memory_space<vmem>>
    %dma_start3A_8 = arith.constant 0 : i32
    %dma_start3A_9 = tpu.memref_slice %arg5[%dma_start3A_8] : memref<25600xi32, #tpu.memory_space<vmem>> -> memref<256xi32, #tpu.memory_space<vmem>>
    %dma_start3A_10 = arith.constant 0 : i32
    %dma_start3A_11 = arith.constant 0 : i32
    %dma_start3A_12 = tpu.memref_slice %arg2[%dma_start3A_10, %dma_start3A_11] : memref<1000000x64xf32, #tpu.memory_space<hbm>> -> memref<1000000x64xf32, #tpu.memory_space<hbm>>
    %dma_start3A_13 = tpu.memref_slice %arg7[%dma_start3A_3] : memref<4x!tpu.dma_semaphore, #tpu.memory_space<semaphore_mem>> -> memref<1x!tpu.dma_semaphore, #tpu.memory_space<semaphore_mem>>
    %dma_start3A_14 = tpu.memref_squeeze %dma_start3A_13 : memref<1x!tpu.dma_semaphore, #tpu.memory_space<semaphore_mem>> -> memref<!tpu.dma_semaphore, #tpu.memory_space<semaphore_mem>>
    tpu.enqueue_indirect_dma source(%dma_start3A_12 : memref<1000000x64xf32, #tpu.memory_space<hbm>>) target(%dma_start3A_7 : memref<256x64xf32, #tpu.memory_space<vmem>>) offsets(%dma_start3A_9 : memref<256xi32, #tpu.memory_space<vmem>>) semaphore(%dma_start3A_14 : memref<!tpu.dma_semaphore, #tpu.memory_space<semaphore_mem>>)
    %dma_start3A_15 = arith.constant 1 : i32
    %dma_start3A_16 = arith.constant 1 : i32
    %dma_start3A_17 = arith.constant 0 : i32
    %dma_start3A_18 = arith.constant 0 : i32
    %dma_start3A_19 = tpu.memref_slice %arg6[%dma_start3A_15, %dma_start3A_17, %dma_start3A_18] : memref<4x256x64xf32, #tpu.memory_space<vmem>> -> memref<1x256x64xf32, #tpu.memory_space<vmem>>
    %dma_start3A_20 = tpu.memref_squeeze %dma_start3A_19 : memref<1x256x64xf32, #tpu.memory_space<vmem>> -> memref<256x64xf32, #tpu.memory_space<vmem>>
    %dma_start3A_21 = arith.constant 256 : i32
    %dma_start3A_22 = tpu.memref_slice %arg5[%dma_start3A_21] : memref<25600xi32, #tpu.memory_space<vmem>> -> memref<256xi32, #tpu.memory_space<vmem>>
    %dma_start3A_23 = arith.constant 0 : i32
    %dma_start3A_24 = arith.constant 0 : i32
    %dma_start3A_25 = tpu.memref_slice %arg2[%dma_start3A_23, %dma_start3A_24] : memref<1000000x64xf32, #tpu.memory_space<hbm>> -> memref<1000000x64xf32, #tpu.memory_space<hbm>>
    %dma_start3A_26 = tpu.memref_slice %arg7[%dma_start3A_16] : memref<4x!tpu.dma_semaphore, #tpu.memory_space<semaphore_mem>> -> memref<1x!tpu.dma_semaphore, #tpu.memory_space<semaphore_mem>>
    %dma_start3A_27 = tpu.memref_squeeze %dma_start3A_26 : memref<1x!tpu.dma_semaphore, #tpu.memory_space<semaphore_mem>> -> memref<!tpu.dma_semaphore, #tpu.memory_space<semaphore_mem>>
    tpu.enqueue_indirect_dma source(%dma_start3A_25 : memref<1000000x64xf32, #tpu.memory_space<hbm>>) target(%dma_start3A_20 : memref<256x64xf32, #tpu.memory_space<vmem>>) offsets(%dma_start3A_22 : memref<256xi32, #tpu.memory_space<vmem>>) semaphore(%dma_start3A_27 : memref<!tpu.dma_semaphore, #tpu.memory_space<semaphore_mem>>)
    %dma_start3A_28 = arith.constant 2 : i32
    %dma_start3A_29 = arith.constant 2 : i32
    %dma_start3A_30 = arith.constant 0 : i32
    %dma_start3A_31 = arith.constant 0 : i32
    %dma_start3A_32 = tpu.memref_slice %arg6[%dma_start3A_28, %dma_start3A_30, %dma_start3A_31] : memref<4x256x64xf32, #tpu.memory_space<vmem>> -> memref<1x256x64xf32, #tpu.memory_space<vmem>>
    %dma_start3A_33 = tpu.memref_squeeze %dma_start3A_32 : memref<1x256x64xf32, #tpu.memory_space<vmem>> -> memref<256x64xf32, #tpu.memory_space<vmem>>
    %dma_start3A_34 = arith.constant 512 : i32
    %dma_start3A_35 = tpu.memref_slice %arg5[%dma_start3A_34] : memref<25600xi32, #tpu.memory_space<vmem>> -> memref<256xi32, #tpu.memory_space<vmem>>
    %dma_start3A_36 = arith.constant 0 : i32
    %dma_start3A_37 = arith.constant 0 : i32
    %dma_start3A_38 = tpu.memref_slice %arg2[%dma_start3A_36, %dma_start3A_37] : memref<1000000x64xf32, #tpu.memory_space<hbm>> -> memref<1000000x64xf32, #tpu.memory_space<hbm>>
    %dma_start3A_39 = tpu.memref_slice %arg7[%dma_start3A_29] : memref<4x!tpu.dma_semaphore, #tpu.memory_space<semaphore_mem>> -> memref<1x!tpu.dma_semaphore, #tpu.memory_space<semaphore_mem>>
    %dma_start3A_40 = tpu.memref_squeeze %dma_start3A_39 : memref<1x!tpu.dma_semaphore, #tpu.memory_space<semaphore_mem>> -> memref<!tpu.dma_semaphore, #tpu.memory_space<semaphore_mem>>
    tpu.enqueue_indirect_dma source(%dma_start3A_38 : memref<1000000x64xf32, #tpu.memory_space<hbm>>) target(%dma_start3A_33 : memref<256x64xf32, #tpu.memory_space<vmem>>) offsets(%dma_start3A_35 : memref<256xi32, #tpu.memory_space<vmem>>) semaphore(%dma_start3A_40 : memref<!tpu.dma_semaphore, #tpu.memory_space<semaphore_mem>>)
    %dma_start3A_41 = arith.constant 3 : i32
    %dma_start3A_42 = arith.constant 3 : i32
    %dma_start3A_43 = arith.constant 0 : i32
    %dma_start3A_44 = arith.constant 0 : i32
    %dma_start3A_45 = tpu.memref_slice %arg6[%dma_start3A_41, %dma_start3A_43, %dma_start3A_44] : memref<4x256x64xf32, #tpu.memory_space<vmem>> -> memref<1x256x64xf32, #tpu.memory_space<vmem>>
    %dma_start3A_46 = tpu.memref_squeeze %dma_start3A_45 : memref<1x256x64xf32, #tpu.memory_space<vmem>> -> memref<256x64xf32, #tpu.memory_space<vmem>>
    %dma_start3A_47 = arith.constant 768 : i32
    %dma_start3A_48 = tpu.memref_slice %arg5[%dma_start3A_47] : memref<25600xi32, #tpu.memory_space<vmem>> -> memref<256xi32, #tpu.memory_space<vmem>>
    %dma_start3A_49 = arith.constant 0 : i32
    %dma_start3A_50 = arith.constant 0 : i32
    %dma_start3A_51 = tpu.memref_slice %arg2[%dma_start3A_49, %dma_start3A_50] : memref<1000000x64xf32, #tpu.memory_space<hbm>> -> memref<1000000x64xf32, #tpu.memory_space<hbm>>
    %dma_start3A_52 = tpu.memref_slice %arg7[%dma_start3A_42] : memref<4x!tpu.dma_semaphore, #tpu.memory_space<semaphore_mem>> -> memref<1x!tpu.dma_semaphore, #tpu.memory_space<semaphore_mem>>
    %dma_start3A_53 = tpu.memref_squeeze %dma_start3A_52 : memref<1x!tpu.dma_semaphore, #tpu.memory_space<semaphore_mem>> -> memref<!tpu.dma_semaphore, #tpu.memory_space<semaphore_mem>>
    tpu.enqueue_indirect_dma source(%dma_start3A_51 : memref<1000000x64xf32, #tpu.memory_space<hbm>>) target(%dma_start3A_46 : memref<256x64xf32, #tpu.memory_space<vmem>>) offsets(%dma_start3A_48 : memref<256xi32, #tpu.memory_space<vmem>>) semaphore(%dma_start3A_53 : memref<!tpu.dma_semaphore, #tpu.memory_space<semaphore_mem>>)
    %scan3A = arith.constant 0 : i32
    %scan3A_54 = arith.constant 0 : i32
    %scan3A_55 = arith.constant 48 : i32
    %scan3A_56 = arith.addi %scan3A_54, %scan3A_55 : i32
    %scan3A_57 = arith.constant 1 : i32
    scf.for %scan3A_254 = %scan3A_54 to %scan3A_56 step %scan3A_57  : i32 {
      %jit3A = arith.constant 2 : i32
      %eq3A = arith.constant 0 : i32
      %eq3A_255 = arith.cmpi eq, %jit3A, %eq3A : i32
      %jit3A_256 = arith.constant 1 : i32
      %select_n3A = arith.select %eq3A_255, %jit3A_256, %jit3A : i32
      %rem3A = arith.remsi %scan3A_254, %select_n3A : i32
      %ne3A = arith.constant 0 : i32
      %ne3A_257 = arith.cmpi ne, %rem3A, %ne3A : i32
      %lt3A = arith.constant 0 : i32
      %lt3A_258 = arith.cmpi slt, %rem3A, %lt3A : i32
      %lt3A_259 = arith.constant 0 : i32
      %lt3A_260 = arith.cmpi slt, %select_n3A, %lt3A_259 : i32
      %ne3A_261 = arith.xori %lt3A_258, %lt3A_260 : i1
      %and3A = arith.andi %ne3A_261, %ne3A_257 : i1
      %add3A_262 = arith.addi %rem3A, %select_n3A : i32
      %select_n3A_263 = arith.select %and3A, %add3A_262, %rem3A : i32
      %mul3A_264 = arith.constant 2 : i32
      %mul3A_265 = arith.muli %select_n3A_263, %mul3A_264 : i32
      %add3A_266 = arith.constant 0 : i32
      %add3A_267 = arith.addi %mul3A_265, %add3A_266 : i32
      %dma_wait3A_268 = arith.constant 0 : i32
      %dma_wait3A_269 = arith.constant 0 : i32
      %dma_wait3A_270 = tpu.memref_slice %arg6[%add3A_267, %dma_wait3A_268, %dma_wait3A_269] : memref<4x256x64xf32, #tpu.memory_space<vmem>> -> memref<1x256x64xf32, #tpu.memory_space<vmem>>
      %dma_wait3A_271 = tpu.memref_squeeze %dma_wait3A_270 : memref<1x256x64xf32, #tpu.memory_space<vmem>> -> memref<256x64xf32, #tpu.memory_space<vmem>>
      %dma_wait3A_272 = arith.constant 0 : i32
      %dma_wait3A_273 = tpu.memref_slice %arg5[%dma_wait3A_272] : memref<25600xi32, #tpu.memory_space<vmem>> -> memref<256xi32, #tpu.memory_space<vmem>>
      %dma_wait3A_274 = arith.constant 0 : i32
      %dma_wait3A_275 = arith.constant 0 : i32
      %dma_wait3A_276 = tpu.memref_slice %arg2[%dma_wait3A_274, %dma_wait3A_275] : memref<1000000x64xf32, #tpu.memory_space<hbm>> -> memref<1000000x64xf32, #tpu.memory_space<hbm>>
      %dma_wait3A_277 = tpu.memref_slice %arg7[%add3A_267] : memref<4x!tpu.dma_semaphore, #tpu.memory_space<semaphore_mem>> -> memref<1x!tpu.dma_semaphore, #tpu.memory_space<semaphore_mem>>
      %dma_wait3A_278 = tpu.memref_squeeze %dma_wait3A_277 : memref<1x!tpu.dma_semaphore, #tpu.memory_space<semaphore_mem>> -> memref<!tpu.dma_semaphore, #tpu.memory_space<semaphore_mem>>
      tpu.wait_indirect_dma semaphore(%dma_wait3A_278 : memref<!tpu.dma_semaphore, #tpu.memory_space<semaphore_mem>>) src(%dma_wait3A_276 : memref<1000000x64xf32, #tpu.memory_space<hbm>>) dst(%dma_wait3A_271 : memref<256x64xf32, #tpu.memory_space<vmem>>)
      %mul3A_279 = arith.constant 2 : i32
      %mul3A_280 = arith.muli %scan3A_254, %mul3A_279 : i32
      %add3A_281 = arith.constant 0 : i32
      %add3A_282 = arith.addi %mul3A_280, %add3A_281 : i32
      %add3A_283 = arith.constant 0 : i32
      %add3A_284 = arith.addi %mul3A_265, %add3A_283 : i32
      %mul3A_285 = arith.constant 256 : i32
      %mul3A_286 = arith.muli %add3A_282, %mul3A_285 : i32
      %add3A_287 = arith.addi %mul3A_2, %mul3A_286 : i32
      %dma_start3A_288 = arith.constant 0 : i32
      %dma_start3A_289 = arith.constant 0 : i32
      %dma_start3A_290 = tpu.memref_slice %arg6[%add3A_284, %dma_start3A_288, %dma_start3A_289] : memref<4x256x64xf32, #tpu.memory_space<vmem>> -> memref<1x256x64xf32, #tpu.memory_space<vmem>>
      %dma_start3A_291 = tpu.memref_squeeze %dma_start3A_290 : memref<1x256x64xf32, #tpu.memory_space<vmem>> -> memref<256x64xf32, #tpu.memory_space<vmem>>
      %dma_start3A_292 = arith.constant 0 : i32
      %dma_start3A_293 = tpu.memref_slice %arg4[%add3A_287, %dma_start3A_292] : memref<819200x128xf32, #tpu.memory_space<hbm>> -> memref<256x64xf32, #tpu.memory_space<hbm>>
      %dma_start3A_294 = tpu.memref_slice %arg8[%add3A_284] : memref<4x!tpu.dma_semaphore, #tpu.memory_space<semaphore_mem>> -> memref<1x!tpu.dma_semaphore, #tpu.memory_space<semaphore_mem>>
      %dma_start3A_295 = tpu.memref_squeeze %dma_start3A_294 : memref<1x!tpu.dma_semaphore, #tpu.memory_space<semaphore_mem>> -> memref<!tpu.dma_semaphore, #tpu.memory_space<semaphore_mem>>
      %dma_start3A_296 = arith.constant 0 : i32
      %dma_start3A_297 = tpu.memref_slice %arg4[%add3A_287, %dma_start3A_296] : memref<819200x128xf32, #tpu.memory_space<hbm>> -> memref<256x64xf32, #tpu.memory_space<hbm>>
      %dma_start3A_298 = arith.constant 0 : i32
      %dma_start3A_299 = arith.constant 0 : i32
      %dma_start3A_300 = tpu.memref_slice %arg6[%add3A_284, %dma_start3A_298, %dma_start3A_299] : memref<4x256x64xf32, #tpu.memory_space<vmem>> -> memref<1x256x64xf32, #tpu.memory_space<vmem>>
      %dma_start3A_301 = tpu.memref_squeeze %dma_start3A_300 : memref<1x256x64xf32, #tpu.memory_space<vmem>> -> memref<256x64xf32, #tpu.memory_space<vmem>>
      tpu.enqueue_dma source(%dma_start3A_301 : memref<256x64xf32, #tpu.memory_space<vmem>>) target(%dma_start3A_297 : memref<256x64xf32, #tpu.memory_space<hbm>>) target_semaphore(%dma_start3A_295 : memref<!tpu.dma_semaphore, #tpu.memory_space<semaphore_mem>>)
      %add3A_302 = arith.constant 1 : i32
      %add3A_303 = arith.addi %mul3A_265, %add3A_302 : i32
      %dma_wait3A_304 = arith.constant 0 : i32
      %dma_wait3A_305 = arith.constant 0 : i32
      %dma_wait3A_306 = tpu.memref_slice %arg6[%add3A_303, %dma_wait3A_304, %dma_wait3A_305] : memref<4x256x64xf32, #tpu.memory_space<vmem>> -> memref<1x256x64xf32, #tpu.memory_space<vmem>>
      %dma_wait3A_307 = tpu.memref_squeeze %dma_wait3A_306 : memref<1x256x64xf32, #tpu.memory_space<vmem>> -> memref<256x64xf32, #tpu.memory_space<vmem>>
      %dma_wait3A_308 = arith.constant 0 : i32
      %dma_wait3A_309 = tpu.memref_slice %arg5[%dma_wait3A_308] : memref<25600xi32, #tpu.memory_space<vmem>> -> memref<256xi32, #tpu.memory_space<vmem>>
      %dma_wait3A_310 = arith.constant 0 : i32
      %dma_wait3A_311 = arith.constant 0 : i32
      %dma_wait3A_312 = tpu.memref_slice %arg2[%dma_wait3A_310, %dma_wait3A_311] : memref<1000000x64xf32, #tpu.memory_space<hbm>> -> memref<1000000x64xf32, #tpu.memory_space<hbm>>
      %dma_wait3A_313 = tpu.memref_slice %arg7[%add3A_303] : memref<4x!tpu.dma_semaphore, #tpu.memory_space<semaphore_mem>> -> memref<1x!tpu.dma_semaphore, #tpu.memory_space<semaphore_mem>>
      %dma_wait3A_314 = tpu.memref_squeeze %dma_wait3A_313 : memref<1x!tpu.dma_semaphore, #tpu.memory_space<semaphore_mem>> -> memref<!tpu.dma_semaphore, #tpu.memory_space<semaphore_mem>>
      tpu.wait_indirect_dma semaphore(%dma_wait3A_314 : memref<!tpu.dma_semaphore, #tpu.memory_space<semaphore_mem>>) src(%dma_wait3A_312 : memref<1000000x64xf32, #tpu.memory_space<hbm>>) dst(%dma_wait3A_307 : memref<256x64xf32, #tpu.memory_space<vmem>>)
      %mul3A_315 = arith.constant 2 : i32
      %mul3A_316 = arith.muli %scan3A_254, %mul3A_315 : i32
      %add3A_317 = arith.constant 1 : i32
      %add3A_318 = arith.addi %mul3A_316, %add3A_317 : i32
      %add3A_319 = arith.constant 1 : i32
      %add3A_320 = arith.addi %mul3A_265, %add3A_319 : i32
      %mul3A_321 = arith.constant 256 : i32
      %mul3A_322 = arith.muli %add3A_318, %mul3A_321 : i32
      %add3A_323 = arith.addi %mul3A_2, %mul3A_322 : i32
      %dma_start3A_324 = arith.constant 0 : i32
      %dma_start3A_325 = arith.constant 0 : i32
      %dma_start3A_326 = tpu.memref_slice %arg6[%add3A_320, %dma_start3A_324, %dma_start3A_325] : memref<4x256x64xf32, #tpu.memory_space<vmem>> -> memref<1x256x64xf32, #tpu.memory_space<vmem>>
      %dma_start3A_327 = tpu.memref_squeeze %dma_start3A_326 : memref<1x256x64xf32, #tpu.memory_space<vmem>> -> memref<256x64xf32, #tpu.memory_space<vmem>>
      %dma_start3A_328 = arith.constant 0 : i32
      %dma_start3A_329 = tpu.memref_slice %arg4[%add3A_323, %dma_start3A_328] : memref<819200x128xf32, #tpu.memory_space<hbm>> -> memref<256x64xf32, #tpu.memory_space<hbm>>
      %dma_start3A_330 = tpu.memref_slice %arg8[%add3A_320] : memref<4x!tpu.dma_semaphore, #tpu.memory_space<semaphore_mem>> -> memref<1x!tpu.dma_semaphore, #tpu.memory_space<semaphore_mem>>
      %dma_start3A_331 = tpu.memref_squeeze %dma_start3A_330 : memref<1x!tpu.dma_semaphore, #tpu.memory_space<semaphore_mem>> -> memref<!tpu.dma_semaphore, #tpu.memory_space<semaphore_mem>>
      %dma_start3A_332 = arith.constant 0 : i32
      %dma_start3A_333 = tpu.memref_slice %arg4[%add3A_323, %dma_start3A_332] : memref<819200x128xf32, #tpu.memory_space<hbm>> -> memref<256x64xf32, #tpu.memory_space<hbm>>
      %dma_start3A_334 = arith.constant 0 : i32
      %dma_start3A_335 = arith.constant 0 : i32
      %dma_start3A_336 = tpu.memref_slice %arg6[%add3A_320, %dma_start3A_334, %dma_start3A_335] : memref<4x256x64xf32, #tpu.memory_space<vmem>> -> memref<1x256x64xf32, #tpu.memory_space<vmem>>
      %dma_start3A_337 = tpu.memref_squeeze %dma_start3A_336 : memref<1x256x64xf32, #tpu.memory_space<vmem>> -> memref<256x64xf32, #tpu.memory_space<vmem>>
      tpu.enqueue_dma source(%dma_start3A_337 : memref<256x64xf32, #tpu.memory_space<vmem>>) target(%dma_start3A_333 : memref<256x64xf32, #tpu.memory_space<hbm>>) target_semaphore(%dma_start3A_331 : memref<!tpu.dma_semaphore, #tpu.memory_space<semaphore_mem>>)
      %add3A_338 = arith.constant 0 : i32
      %add3A_339 = arith.addi %mul3A_265, %add3A_338 : i32
      %dma_wait3A_340 = arith.constant 0 : i32
      %dma_wait3A_341 = arith.constant 0 : i32
      %dma_wait3A_342 = tpu.memref_slice %arg6[%add3A_339, %dma_wait3A_340, %dma_wait3A_341] : memref<4x256x64xf32, #tpu.memory_space<vmem>> -> memref<1x256x64xf32, #tpu.memory_space<vmem>>
      %dma_wait3A_343 = tpu.memref_squeeze %dma_wait3A_342 : memref<1x256x64xf32, #tpu.memory_space<vmem>> -> memref<256x64xf32, #tpu.memory_space<vmem>>
      %dma_wait3A_344 = arith.constant 0 : i32
      %dma_wait3A_345 = arith.constant 0 : i32
      %dma_wait3A_346 = tpu.memref_slice %arg4[%dma_wait3A_344, %dma_wait3A_345] : memref<819200x128xf32, #tpu.memory_space<hbm>> -> memref<256x64xf32, #tpu.memory_space<hbm>>
      %dma_wait3A_347 = tpu.memref_slice %arg8[%add3A_339] : memref<4x!tpu.dma_semaphore, #tpu.memory_space<semaphore_mem>> -> memref<1x!tpu.dma_semaphore, #tpu.memory_space<semaphore_mem>>
      %dma_wait3A_348 = tpu.memref_squeeze %dma_wait3A_347 : memref<1x!tpu.dma_semaphore, #tpu.memory_space<semaphore_mem>> -> memref<!tpu.dma_semaphore, #tpu.memory_space<semaphore_mem>>
      %dma_wait3A_349 = arith.constant 0 : i32
      %dma_wait3A_350 = arith.constant 0 : i32
      %dma_wait3A_351 = tpu.memref_slice %arg4[%dma_wait3A_349, %dma_wait3A_350] : memref<819200x128xf32, #tpu.memory_space<hbm>> -> memref<256x64xf32, #tpu.memory_space<hbm>>
      %dma_wait3A_352 = arith.constant 0 : i32
      %dma_wait3A_353 = arith.constant 0 : i32
      %dma_wait3A_354 = tpu.memref_slice %arg6[%add3A_339, %dma_wait3A_352, %dma_wait3A_353] : memref<4x256x64xf32, #tpu.memory_space<vmem>> -> memref<1x256x64xf32, #tpu.memory_space<vmem>>
      %dma_wait3A_355 = tpu.memref_squeeze %dma_wait3A_354 : memref<1x256x64xf32, #tpu.memory_space<vmem>> -> memref<256x64xf32, #tpu.memory_space<vmem>>
      tpu.wait_dma2 semaphore(%dma_wait3A_348 : memref<!tpu.dma_semaphore, #tpu.memory_space<semaphore_mem>>) src(%dma_wait3A_355 : memref<256x64xf32, #tpu.memory_space<vmem>>) dst(%dma_wait3A_351 : memref<256x64xf32, #tpu.memory_space<hbm>>)
      %add3A_356 = arith.constant 2 : i32
      %add3A_357 = arith.addi %scan3A_254, %add3A_356 : i32
      %mul3A_358 = arith.constant 2 : i32
      %mul3A_359 = arith.muli %add3A_357, %mul3A_358 : i32
      %add3A_360 = arith.constant 0 : i32
      %add3A_361 = arith.addi %mul3A_359, %add3A_360 : i32
      %add3A_362 = arith.constant 0 : i32
      %add3A_363 = arith.addi %mul3A_265, %add3A_362 : i32
      %mul3A_364 = arith.constant 256 : i32
      %mul3A_365 = arith.muli %add3A_361, %mul3A_364 : i32
      %dma_start3A_366 = arith.constant 0 : i32
      %dma_start3A_367 = arith.constant 0 : i32
      %dma_start3A_368 = tpu.memref_slice %arg6[%add3A_363, %dma_start3A_366, %dma_start3A_367] : memref<4x256x64xf32, #tpu.memory_space<vmem>> -> memref<1x256x64xf32, #tpu.memory_space<vmem>>
      %dma_start3A_369 = tpu.memref_squeeze %dma_start3A_368 : memref<1x256x64xf32, #tpu.memory_space<vmem>> -> memref<256x64xf32, #tpu.memory_space<vmem>>
      %dma_start3A_370 = tpu.memref_slice %arg5[%mul3A_365] : memref<25600xi32, #tpu.memory_space<vmem>> -> memref<256xi32, #tpu.memory_space<vmem>>
      %dma_start3A_371 = arith.constant 0 : i32
      %dma_start3A_372 = arith.constant 0 : i32
      %dma_start3A_373 = tpu.memref_slice %arg2[%dma_start3A_371, %dma_start3A_372] : memref<1000000x64xf32, #tpu.memory_space<hbm>> -> memref<1000000x64xf32, #tpu.memory_space<hbm>>
      %dma_start3A_374 = tpu.memref_slice %arg7[%add3A_363] : memref<4x!tpu.dma_semaphore, #tpu.memory_space<semaphore_mem>> -> memref<1x!tpu.dma_semaphore, #tpu.memory_space<semaphore_mem>>
      %dma_start3A_375 = tpu.memref_squeeze %dma_start3A_374 : memref<1x!tpu.dma_semaphore, #tpu.memory_space<semaphore_mem>> -> memref<!tpu.dma_semaphore, #tpu.memory_space<semaphore_mem>>
      tpu.enqueue_indirect_dma source(%dma_start3A_373 : memref<1000000x64xf32, #tpu.memory_space<hbm>>) target(%dma_start3A_369 : memref<256x64xf32, #tpu.memory_space<vmem>>) offsets(%dma_start3A_370 : memref<256xi32, #tpu.memory_space<vmem>>) semaphore(%dma_start3A_375 : memref<!tpu.dma_semaphore, #tpu.memory_space<semaphore_mem>>)
      %add3A_376 = arith.constant 1 : i32
      %add3A_377 = arith.addi %mul3A_265, %add3A_376 : i32
      %dma_wait3A_378 = arith.constant 0 : i32
      %dma_wait3A_379 = arith.constant 0 : i32
      %dma_wait3A_380 = tpu.memref_slice %arg6[%add3A_377, %dma_wait3A_378, %dma_wait3A_379] : memref<4x256x64xf32, #tpu.memory_space<vmem>> -> memref<1x256x64xf32, #tpu.memory_space<vmem>>
      %dma_wait3A_381 = tpu.memref_squeeze %dma_wait3A_380 : memref<1x256x64xf32, #tpu.memory_space<vmem>> -> memref<256x64xf32, #tpu.memory_space<vmem>>
      %dma_wait3A_382 = arith.constant 0 : i32
      %dma_wait3A_383 = arith.constant 0 : i32
      %dma_wait3A_384 = tpu.memref_slice %arg4[%dma_wait3A_382, %dma_wait3A_383] : memref<819200x128xf32, #tpu.memory_space<hbm>> -> memref<256x64xf32, #tpu.memory_space<hbm>>
      %dma_wait3A_385 = tpu.memref_slice %arg8[%add3A_377] : memref<4x!tpu.dma_semaphore, #tpu.memory_space<semaphore_mem>> -> memref<1x!tpu.dma_semaphore, #tpu.memory_space<semaphore_mem>>
      %dma_wait3A_386 = tpu.memref_squeeze %dma_wait3A_385 : memref<1x!tpu.dma_semaphore, #tpu.memory_space<semaphore_mem>> -> memref<!tpu.dma_semaphore, #tpu.memory_space<semaphore_mem>>
      %dma_wait3A_387 = arith.constant 0 : i32
      %dma_wait3A_388 = arith.constant 0 : i32
      %dma_wait3A_389 = tpu.memref_slice %arg4[%dma_wait3A_387, %dma_wait3A_388] : memref<819200x128xf32, #tpu.memory_space<hbm>> -> memref<256x64xf32, #tpu.memory_space<hbm>>
      %dma_wait3A_390 = arith.constant 0 : i32
      %dma_wait3A_391 = arith.constant 0 : i32
      %dma_wait3A_392 = tpu.memref_slice %arg6[%add3A_377, %dma_wait3A_390, %dma_wait3A_391] : memref<4x256x64xf32, #tpu.memory_space<vmem>> -> memref<1x256x64xf32, #tpu.memory_space<vmem>>
      %dma_wait3A_393 = tpu.memref_squeeze %dma_wait3A_392 : memref<1x256x64xf32, #tpu.memory_space<vmem>> -> memref<256x64xf32, #tpu.memory_space<vmem>>
      tpu.wait_dma2 semaphore(%dma_wait3A_386 : memref<!tpu.dma_semaphore, #tpu.memory_space<semaphore_mem>>) src(%dma_wait3A_393 : memref<256x64xf32, #tpu.memory_space<vmem>>) dst(%dma_wait3A_389 : memref<256x64xf32, #tpu.memory_space<hbm>>)
      %add3A_394 = arith.constant 2 : i32
      %add3A_395 = arith.addi %scan3A_254, %add3A_394 : i32
      %mul3A_396 = arith.constant 2 : i32
      %mul3A_397 = arith.muli %add3A_395, %mul3A_396 : i32
      %add3A_398 = arith.constant 1 : i32
      %add3A_399 = arith.addi %mul3A_397, %add3A_398 : i32
      %add3A_400 = arith.constant 1 : i32
      %add3A_401 = arith.addi %mul3A_265, %add3A_400 : i32
      %mul3A_402 = arith.constant 256 : i32
      %mul3A_403 = arith.muli %add3A_399, %mul3A_402 : i32
      %dma_start3A_404 = arith.constant 0 : i32
      %dma_start3A_405 = arith.constant 0 : i32
      %dma_start3A_406 = tpu.memref_slice %arg6[%add3A_401, %dma_start3A_404, %dma_start3A_405] : memref<4x256x64xf32, #tpu.memory_space<vmem>> -> memref<1x256x64xf32, #tpu.memory_space<vmem>>
      %dma_start3A_407 = tpu.memref_squeeze %dma_start3A_406 : memref<1x256x64xf32, #tpu.memory_space<vmem>> -> memref<256x64xf32, #tpu.memory_space<vmem>>
      %dma_start3A_408 = tpu.memref_slice %arg5[%mul3A_403] : memref<25600xi32, #tpu.memory_space<vmem>> -> memref<256xi32, #tpu.memory_space<vmem>>
      %dma_start3A_409 = arith.constant 0 : i32
      %dma_start3A_410 = arith.constant 0 : i32
      %dma_start3A_411 = tpu.memref_slice %arg2[%dma_start3A_409, %dma_start3A_410] : memref<1000000x64xf32, #tpu.memory_space<hbm>> -> memref<1000000x64xf32, #tpu.memory_space<hbm>>
      %dma_start3A_412 = tpu.memref_slice %arg7[%add3A_401] : memref<4x!tpu.dma_semaphore, #tpu.memory_space<semaphore_mem>> -> memref<1x!tpu.dma_semaphore, #tpu.memory_space<semaphore_mem>>
      %dma_start3A_413 = tpu.memref_squeeze %dma_start3A_412 : memref<1x!tpu.dma_semaphore, #tpu.memory_space<semaphore_mem>> -> memref<!tpu.dma_semaphore, #tpu.memory_space<semaphore_mem>>
      tpu.enqueue_indirect_dma source(%dma_start3A_411 : memref<1000000x64xf32, #tpu.memory_space<hbm>>) target(%dma_start3A_407 : memref<256x64xf32, #tpu.memory_space<vmem>>) offsets(%dma_start3A_408 : memref<256xi32, #tpu.memory_space<vmem>>) semaphore(%dma_start3A_413 : memref<!tpu.dma_semaphore, #tpu.memory_space<semaphore_mem>>)
    }
    %scan3A_58 = arith.constant 48 : i32
    %dma_wait3A = arith.constant 0 : i32
    %dma_wait3A_59 = arith.constant 0 : i32
    %dma_wait3A_60 = arith.constant 0 : i32
    %dma_wait3A_61 = arith.constant 0 : i32
    %dma_wait3A_62 = tpu.memref_slice %arg6[%dma_wait3A, %dma_wait3A_60, %dma_wait3A_61] : memref<4x256x64xf32, #tpu.memory_space<vmem>> -> memref<1x256x64xf32, #tpu.memory_space<vmem>>
    %dma_wait3A_63 = tpu.memref_squeeze %dma_wait3A_62 : memref<1x256x64xf32, #tpu.memory_space<vmem>> -> memref<256x64xf32, #tpu.memory_space<vmem>>
    %dma_wait3A_64 = arith.constant 0 : i32
    %dma_wait3A_65 = tpu.memref_slice %arg5[%dma_wait3A_64] : memref<25600xi32, #tpu.memory_space<vmem>> -> memref<256xi32, #tpu.memory_space<vmem>>
    %dma_wait3A_66 = arith.constant 0 : i32
    %dma_wait3A_67 = arith.constant 0 : i32
    %dma_wait3A_68 = tpu.memref_slice %arg2[%dma_wait3A_66, %dma_wait3A_67] : memref<1000000x64xf32, #tpu.memory_space<hbm>> -> memref<1000000x64xf32, #tpu.memory_space<hbm>>
    %dma_wait3A_69 = tpu.memref_slice %arg7[%dma_wait3A_59] : memref<4x!tpu.dma_semaphore, #tpu.memory_space<semaphore_mem>> -> memref<1x!tpu.dma_semaphore, #tpu.memory_space<semaphore_mem>>
    %dma_wait3A_70 = tpu.memref_squeeze %dma_wait3A_69 : memref<1x!tpu.dma_semaphore, #tpu.memory_space<semaphore_mem>> -> memref<!tpu.dma_semaphore, #tpu.memory_space<semaphore_mem>>
    tpu.wait_indirect_dma semaphore(%dma_wait3A_70 : memref<!tpu.dma_semaphore, #tpu.memory_space<semaphore_mem>>) src(%dma_wait3A_68 : memref<1000000x64xf32, #tpu.memory_space<hbm>>) dst(%dma_wait3A_63 : memref<256x64xf32, #tpu.memory_space<vmem>>)
    %add3A_71 = arith.constant 24576 : i32
    %add3A_72 = arith.addi %mul3A_2, %add3A_71 : i32
    %dma_start3A_73 = arith.constant 0 : i32
    %dma_start3A_74 = arith.constant 0 : i32
    %dma_start3A_75 = arith.constant 0 : i32
    %dma_start3A_76 = arith.constant 0 : i32
    %dma_start3A_77 = tpu.memref_slice %arg6[%dma_start3A_73, %dma_start3A_75, %dma_start3A_76] : memref<4x256x64xf32, #tpu.memory_space<vmem>> -> memref<1x256x64xf32, #tpu.memory_space<vmem>>
    %dma_start3A_78 = tpu.memref_squeeze %dma_start3A_77 : memref<1x256x64xf32, #tpu.memory_space<vmem>> -> memref<256x64xf32, #tpu.memory_space<vmem>>
    %dma_start3A_79 = arith.constant 0 : i32
    %dma_start3A_80 = tpu.memref_slice %arg4[%add3A_72, %dma_start3A_79] : memref<819200x128xf32, #tpu.memory_space<hbm>> -> memref<256x64xf32, #tpu.memory_space<hbm>>
    %dma_start3A_81 = tpu.memref_slice %arg8[%dma_start3A_74] : memref<4x!tpu.dma_semaphore, #tpu.memory_space<semaphore_mem>> -> memref<1x!tpu.dma_semaphore, #tpu.memory_space<semaphore_mem>>
    %dma_start3A_82 = tpu.memref_squeeze %dma_start3A_81 : memref<1x!tpu.dma_semaphore, #tpu.memory_space<semaphore_mem>> -> memref<!tpu.dma_semaphore, #tpu.memory_space<semaphore_mem>>
    %dma_start3A_83 = arith.constant 0 : i32
    %dma_start3A_84 = tpu.memref_slice %arg4[%add3A_72, %dma_start3A_83] : memref<819200x128xf32, #tpu.memory_space<hbm>> -> memref<256x64xf32, #tpu.memory_space<hbm>>
    %dma_start3A_85 = arith.constant 0 : i32
    %dma_start3A_86 = arith.constant 0 : i32
    %dma_start3A_87 = tpu.memref_slice %arg6[%dma_start3A_73, %dma_start3A_85, %dma_start3A_86] : memref<4x256x64xf32, #tpu.memory_space<vmem>> -> memref<1x256x64xf32, #tpu.memory_space<vmem>>
    %dma_start3A_88 = tpu.memref_squeeze %dma_start3A_87 : memref<1x256x64xf32, #tpu.memory_space<vmem>> -> memref<256x64xf32, #tpu.memory_space<vmem>>
    tpu.enqueue_dma source(%dma_start3A_88 : memref<256x64xf32, #tpu.memory_space<vmem>>) target(%dma_start3A_84 : memref<256x64xf32, #tpu.memory_space<hbm>>) target_semaphore(%dma_start3A_82 : memref<!tpu.dma_semaphore, #tpu.memory_space<semaphore_mem>>)
    %dma_wait3A_89 = arith.constant 1 : i32
    %dma_wait3A_90 = arith.constant 1 : i32
    %dma_wait3A_91 = arith.constant 0 : i32
    %dma_wait3A_92 = arith.constant 0 : i32
    %dma_wait3A_93 = tpu.memref_slice %arg6[%dma_wait3A_89, %dma_wait3A_91, %dma_wait3A_92] : memref<4x256x64xf32, #tpu.memory_space<vmem>> -> memref<1x256x64xf32, #tpu.memory_space<vmem>>
    %dma_wait3A_94 = tpu.memref_squeeze %dma_wait3A_93 : memref<1x256x64xf32, #tpu.memory_space<vmem>> -> memref<256x64xf32, #tpu.memory_space<vmem>>
    %dma_wait3A_95 = arith.constant 0 : i32
    %dma_wait3A_96 = tpu.memref_slice %arg5[%dma_wait3A_95] : memref<25600xi32, #tpu.memory_space<vmem>> -> memref<256xi32, #tpu.memory_space<vmem>>
    %dma_wait3A_97 = arith.constant 0 : i32
    %dma_wait3A_98 = arith.constant 0 : i32
    %dma_wait3A_99 = tpu.memref_slice %arg2[%dma_wait3A_97, %dma_wait3A_98] : memref<1000000x64xf32, #tpu.memory_space<hbm>> -> memref<1000000x64xf32, #tpu.memory_space<hbm>>
    %dma_wait3A_100 = tpu.memref_slice %arg7[%dma_wait3A_90] : memref<4x!tpu.dma_semaphore, #tpu.memory_space<semaphore_mem>> -> memref<1x!tpu.dma_semaphore, #tpu.memory_space<semaphore_mem>>
    %dma_wait3A_101 = tpu.memref_squeeze %dma_wait3A_100 : memref<1x!tpu.dma_semaphore, #tpu.memory_space<semaphore_mem>> -> memref<!tpu.dma_semaphore, #tpu.memory_space<semaphore_mem>>
    tpu.wait_indirect_dma semaphore(%dma_wait3A_101 : memref<!tpu.dma_semaphore, #tpu.memory_space<semaphore_mem>>) src(%dma_wait3A_99 : memref<1000000x64xf32, #tpu.memory_space<hbm>>) dst(%dma_wait3A_94 : memref<256x64xf32, #tpu.memory_space<vmem>>)
    %add3A_102 = arith.constant 24832 : i32
    %add3A_103 = arith.addi %mul3A_2, %add3A_102 : i32
    %dma_start3A_104 = arith.constant 1 : i32
    %dma_start3A_105 = arith.constant 1 : i32
    %dma_start3A_106 = arith.constant 0 : i32
    %dma_start3A_107 = arith.constant 0 : i32
    %dma_start3A_108 = tpu.memref_slice %arg6[%dma_start3A_104, %dma_start3A_106, %dma_start3A_107] : memref<4x256x64xf32, #tpu.memory_space<vmem>> -> memref<1x256x64xf32, #tpu.memory_space<vmem>>
    %dma_start3A_109 = tpu.memref_squeeze %dma_start3A_108 : memref<1x256x64xf32, #tpu.memory_space<vmem>> -> memref<256x64xf32, #tpu.memory_space<vmem>>
    %dma_start3A_110 = arith.constant 0 : i32
    %dma_start3A_111 = tpu.memref_slice %arg4[%add3A_103, %dma_start3A_110] : memref<819200x128xf32, #tpu.memory_space<hbm>> -> memref<256x64xf32, #tpu.memory_space<hbm>>
    %dma_start3A_112 = tpu.memref_slice %arg8[%dma_start3A_105] : memref<4x!tpu.dma_semaphore, #tpu.memory_space<semaphore_mem>> -> memref<1x!tpu.dma_semaphore, #tpu.memory_space<semaphore_mem>>
    %dma_start3A_113 = tpu.memref_squeeze %dma_start3A_112 : memref<1x!tpu.dma_semaphore, #tpu.memory_space<semaphore_mem>> -> memref<!tpu.dma_semaphore, #tpu.memory_space<semaphore_mem>>
    %dma_start3A_114 = arith.constant 0 : i32
    %dma_start3A_115 = tpu.memref_slice %arg4[%add3A_103, %dma_start3A_114] : memref<819200x128xf32, #tpu.memory_space<hbm>> -> memref<256x64xf32, #tpu.memory_space<hbm>>
    %dma_start3A_116 = arith.constant 0 : i32
    %dma_start3A_117 = arith.constant 0 : i32
    %dma_start3A_118 = tpu.memref_slice %arg6[%dma_start3A_104, %dma_start3A_116, %dma_start3A_117] : memref<4x256x64xf32, #tpu.memory_space<vmem>> -> memref<1x256x64xf32, #tpu.memory_space<vmem>>
    %dma_start3A_119 = tpu.memref_squeeze %dma_start3A_118 : memref<1x256x64xf32, #tpu.memory_space<vmem>> -> memref<256x64xf32, #tpu.memory_space<vmem>>
    tpu.enqueue_dma source(%dma_start3A_119 : memref<256x64xf32, #tpu.memory_space<vmem>>) target(%dma_start3A_115 : memref<256x64xf32, #tpu.memory_space<hbm>>) target_semaphore(%dma_start3A_113 : memref<!tpu.dma_semaphore, #tpu.memory_space<semaphore_mem>>)
    %dma_wait3A_120 = arith.constant 0 : i32
    %dma_wait3A_121 = arith.constant 0 : i32
    %dma_wait3A_122 = arith.constant 0 : i32
    %dma_wait3A_123 = arith.constant 0 : i32
    %dma_wait3A_124 = tpu.memref_slice %arg6[%dma_wait3A_120, %dma_wait3A_122, %dma_wait3A_123] : memref<4x256x64xf32, #tpu.memory_space<vmem>> -> memref<1x256x64xf32, #tpu.memory_space<vmem>>
    %dma_wait3A_125 = tpu.memref_squeeze %dma_wait3A_124 : memref<1x256x64xf32, #tpu.memory_space<vmem>> -> memref<256x64xf32, #tpu.memory_space<vmem>>
    %dma_wait3A_126 = arith.constant 0 : i32
    %dma_wait3A_127 = arith.constant 0 : i32
    %dma_wait3A_128 = tpu.memref_slice %arg4[%dma_wait3A_126, %dma_wait3A_127] : memref<819200x128xf32, #tpu.memory_space<hbm>> -> memref<256x64xf32, #tpu.memory_space<hbm>>
    %dma_wait3A_129 = tpu.memref_slice %arg8[%dma_wait3A_121] : memref<4x!tpu.dma_semaphore, #tpu.memory_space<semaphore_mem>> -> memref<1x!tpu.dma_semaphore, #tpu.memory_space<semaphore_mem>>
    %dma_wait3A_130 = tpu.memref_squeeze %dma_wait3A_129 : memref<1x!tpu.dma_semaphore, #tpu.memory_space<semaphore_mem>> -> memref<!tpu.dma_semaphore, #tpu.memory_space<semaphore_mem>>
    %dma_wait3A_131 = arith.constant 0 : i32
    %dma_wait3A_132 = arith.constant 0 : i32
    %dma_wait3A_133 = tpu.memref_slice %arg4[%dma_wait3A_131, %dma_wait3A_132] : memref<819200x128xf32, #tpu.memory_space<hbm>> -> memref<256x64xf32, #tpu.memory_space<hbm>>
    %dma_wait3A_134 = arith.constant 0 : i32
    %dma_wait3A_135 = arith.constant 0 : i32
    %dma_wait3A_136 = tpu.memref_slice %arg6[%dma_wait3A_120, %dma_wait3A_134, %dma_wait3A_135] : memref<4x256x64xf32, #tpu.memory_space<vmem>> -> memref<1x256x64xf32, #tpu.memory_space<vmem>>
    %dma_wait3A_137 = tpu.memref_squeeze %dma_wait3A_136 : memref<1x256x64xf32, #tpu.memory_space<vmem>> -> memref<256x64xf32, #tpu.memory_space<vmem>>
    tpu.wait_dma2 semaphore(%dma_wait3A_130 : memref<!tpu.dma_semaphore, #tpu.memory_space<semaphore_mem>>) src(%dma_wait3A_137 : memref<256x64xf32, #tpu.memory_space<vmem>>) dst(%dma_wait3A_133 : memref<256x64xf32, #tpu.memory_space<hbm>>)
    %dma_wait3A_138 = arith.constant 1 : i32
    %dma_wait3A_139 = arith.constant 1 : i32
    %dma_wait3A_140 = arith.constant 0 : i32
    %dma_wait3A_141 = arith.constant 0 : i32
    %dma_wait3A_142 = tpu.memref_slice %arg6[%dma_wait3A_138, %dma_wait3A_140, %dma_wait3A_141] : memref<4x256x64xf32, #tpu.memory_space<vmem>> -> memref<1x256x64xf32, #tpu.memory_space<vmem>>
    %dma_wait3A_143 = tpu.memref_squeeze %dma_wait3A_142 : memref<1x256x64xf32, #tpu.memory_space<vmem>> -> memref<256x64xf32, #tpu.memory_space<vmem>>
    %dma_wait3A_144 = arith.constant 0 : i32
    %dma_wait3A_145 = arith.constant 0 : i32
    %dma_wait3A_146 = tpu.memref_slice %arg4[%dma_wait3A_144, %dma_wait3A_145] : memref<819200x128xf32, #tpu.memory_space<hbm>> -> memref<256x64xf32, #tpu.memory_space<hbm>>
    %dma_wait3A_147 = tpu.memref_slice %arg8[%dma_wait3A_139] : memref<4x!tpu.dma_semaphore, #tpu.memory_space<semaphore_mem>> -> memref<1x!tpu.dma_semaphore, #tpu.memory_space<semaphore_mem>>
    %dma_wait3A_148 = tpu.memref_squeeze %dma_wait3A_147 : memref<1x!tpu.dma_semaphore, #tpu.memory_space<semaphore_mem>> -> memref<!tpu.dma_semaphore, #tpu.memory_space<semaphore_mem>>
    %dma_wait3A_149 = arith.constant 0 : i32
    %dma_wait3A_150 = arith.constant 0 : i32
    %dma_wait3A_151 = tpu.memref_slice %arg4[%dma_wait3A_149, %dma_wait3A_150] : memref<819200x128xf32, #tpu.memory_space<hbm>> -> memref<256x64xf32, #tpu.memory_space<hbm>>
    %dma_wait3A_152 = arith.constant 0 : i32
    %dma_wait3A_153 = arith.constant 0 : i32
    %dma_wait3A_154 = tpu.memref_slice %arg6[%dma_wait3A_138, %dma_wait3A_152, %dma_wait3A_153] : memref<4x256x64xf32, #tpu.memory_space<vmem>> -> memref<1x256x64xf32, #tpu.memory_space<vmem>>
    %dma_wait3A_155 = tpu.memref_squeeze %dma_wait3A_154 : memref<1x256x64xf32, #tpu.memory_space<vmem>> -> memref<256x64xf32, #tpu.memory_space<vmem>>
    tpu.wait_dma2 semaphore(%dma_wait3A_148 : memref<!tpu.dma_semaphore, #tpu.memory_space<semaphore_mem>>) src(%dma_wait3A_155 : memref<256x64xf32, #tpu.memory_space<vmem>>) dst(%dma_wait3A_151 : memref<256x64xf32, #tpu.memory_space<hbm>>)
    %dma_wait3A_156 = arith.constant 2 : i32
    %dma_wait3A_157 = arith.constant 2 : i32
    %dma_wait3A_158 = arith.constant 0 : i32
    %dma_wait3A_159 = arith.constant 0 : i32
    %dma_wait3A_160 = tpu.memref_slice %arg6[%dma_wait3A_156, %dma_wait3A_158, %dma_wait3A_159] : memref<4x256x64xf32, #tpu.memory_space<vmem>> -> memref<1x256x64xf32, #tpu.memory_space<vmem>>
    %dma_wait3A_161 = tpu.memref_squeeze %dma_wait3A_160 : memref<1x256x64xf32, #tpu.memory_space<vmem>> -> memref<256x64xf32, #tpu.memory_space<vmem>>
    %dma_wait3A_162 = arith.constant 0 : i32
    %dma_wait3A_163 = tpu.memref_slice %arg5[%dma_wait3A_162] : memref<25600xi32, #tpu.memory_space<vmem>> -> memref<256xi32, #tpu.memory_space<vmem>>
    %dma_wait3A_164 = arith.constant 0 : i32
    %dma_wait3A_165 = arith.constant 0 : i32
    %dma_wait3A_166 = tpu.memref_slice %arg2[%dma_wait3A_164, %dma_wait3A_165] : memref<1000000x64xf32, #tpu.memory_space<hbm>> -> memref<1000000x64xf32, #tpu.memory_space<hbm>>
    %dma_wait3A_167 = tpu.memref_slice %arg7[%dma_wait3A_157] : memref<4x!tpu.dma_semaphore, #tpu.memory_space<semaphore_mem>> -> memref<1x!tpu.dma_semaphore, #tpu.memory_space<semaphore_mem>>
    %dma_wait3A_168 = tpu.memref_squeeze %dma_wait3A_167 : memref<1x!tpu.dma_semaphore, #tpu.memory_space<semaphore_mem>> -> memref<!tpu.dma_semaphore, #tpu.memory_space<semaphore_mem>>
    tpu.wait_indirect_dma semaphore(%dma_wait3A_168 : memref<!tpu.dma_semaphore, #tpu.memory_space<semaphore_mem>>) src(%dma_wait3A_166 : memref<1000000x64xf32, #tpu.memory_space<hbm>>) dst(%dma_wait3A_161 : memref<256x64xf32, #tpu.memory_space<vmem>>)
    %add3A_169 = arith.constant 25088 : i32
    %add3A_170 = arith.addi %mul3A_2, %add3A_169 : i32
    %dma_start3A_171 = arith.constant 2 : i32
    %dma_start3A_172 = arith.constant 2 : i32
    %dma_start3A_173 = arith.constant 0 : i32
    %dma_start3A_174 = arith.constant 0 : i32
    %dma_start3A_175 = tpu.memref_slice %arg6[%dma_start3A_171, %dma_start3A_173, %dma_start3A_174] : memref<4x256x64xf32, #tpu.memory_space<vmem>> -> memref<1x256x64xf32, #tpu.memory_space<vmem>>
    %dma_start3A_176 = tpu.memref_squeeze %dma_start3A_175 : memref<1x256x64xf32, #tpu.memory_space<vmem>> -> memref<256x64xf32, #tpu.memory_space<vmem>>
    %dma_start3A_177 = arith.constant 0 : i32
    %dma_start3A_178 = tpu.memref_slice %arg4[%add3A_170, %dma_start3A_177] : memref<819200x128xf32, #tpu.memory_space<hbm>> -> memref<256x64xf32, #tpu.memory_space<hbm>>
    %dma_start3A_179 = tpu.memref_slice %arg8[%dma_start3A_172] : memref<4x!tpu.dma_semaphore, #tpu.memory_space<semaphore_mem>> -> memref<1x!tpu.dma_semaphore, #tpu.memory_space<semaphore_mem>>
    %dma_start3A_180 = tpu.memref_squeeze %dma_start3A_179 : memref<1x!tpu.dma_semaphore, #tpu.memory_space<semaphore_mem>> -> memref<!tpu.dma_semaphore, #tpu.memory_space<semaphore_mem>>
    %dma_start3A_181 = arith.constant 0 : i32
    %dma_start3A_182 = tpu.memref_slice %arg4[%add3A_170, %dma_start3A_181] : memref<819200x128xf32, #tpu.memory_space<hbm>> -> memref<256x64xf32, #tpu.memory_space<hbm>>
    %dma_start3A_183 = arith.constant 0 : i32
    %dma_start3A_184 = arith.constant 0 : i32
    %dma_start3A_185 = tpu.memref_slice %arg6[%dma_start3A_171, %dma_start3A_183, %dma_start3A_184] : memref<4x256x64xf32, #tpu.memory_space<vmem>> -> memref<1x256x64xf32, #tpu.memory_space<vmem>>
    %dma_start3A_186 = tpu.memref_squeeze %dma_start3A_185 : memref<1x256x64xf32, #tpu.memory_space<vmem>> -> memref<256x64xf32, #tpu.memory_space<vmem>>
    tpu.enqueue_dma source(%dma_start3A_186 : memref<256x64xf32, #tpu.memory_space<vmem>>) target(%dma_start3A_182 : memref<256x64xf32, #tpu.memory_space<hbm>>) target_semaphore(%dma_start3A_180 : memref<!tpu.dma_semaphore, #tpu.memory_space<semaphore_mem>>)
    %dma_wait3A_187 = arith.constant 3 : i32
    %dma_wait3A_188 = arith.constant 3 : i32
    %dma_wait3A_189 = arith.constant 0 : i32
    %dma_wait3A_190 = arith.constant 0 : i32
    %dma_wait3A_191 = tpu.memref_slice %arg6[%dma_wait3A_187, %dma_wait3A_189, %dma_wait3A_190] : memref<4x256x64xf32, #tpu.memory_space<vmem>> -> memref<1x256x64xf32, #tpu.memory_space<vmem>>
    %dma_wait3A_192 = tpu.memref_squeeze %dma_wait3A_191 : memref<1x256x64xf32, #tpu.memory_space<vmem>> -> memref<256x64xf32, #tpu.memory_space<vmem>>
    %dma_wait3A_193 = arith.constant 0 : i32
    %dma_wait3A_194 = tpu.memref_slice %arg5[%dma_wait3A_193] : memref<25600xi32, #tpu.memory_space<vmem>> -> memref<256xi32, #tpu.memory_space<vmem>>
    %dma_wait3A_195 = arith.constant 0 : i32
    %dma_wait3A_196 = arith.constant 0 : i32
    %dma_wait3A_197 = tpu.memref_slice %arg2[%dma_wait3A_195, %dma_wait3A_196] : memref<1000000x64xf32, #tpu.memory_space<hbm>> -> memref<1000000x64xf32, #tpu.memory_space<hbm>>
    %dma_wait3A_198 = tpu.memref_slice %arg7[%dma_wait3A_188] : memref<4x!tpu.dma_semaphore, #tpu.memory_space<semaphore_mem>> -> memref<1x!tpu.dma_semaphore, #tpu.memory_space<semaphore_mem>>
    %dma_wait3A_199 = tpu.memref_squeeze %dma_wait3A_198 : memref<1x!tpu.dma_semaphore, #tpu.memory_space<semaphore_mem>> -> memref<!tpu.dma_semaphore, #tpu.memory_space<semaphore_mem>>
    tpu.wait_indirect_dma semaphore(%dma_wait3A_199 : memref<!tpu.dma_semaphore, #tpu.memory_space<semaphore_mem>>) src(%dma_wait3A_197 : memref<1000000x64xf32, #tpu.memory_space<hbm>>) dst(%dma_wait3A_192 : memref<256x64xf32, #tpu.memory_space<vmem>>)
    %add3A_200 = arith.constant 25344 : i32
    %add3A_201 = arith.addi %mul3A_2, %add3A_200 : i32
    %dma_start3A_202 = arith.constant 3 : i32
    %dma_start3A_203 = arith.constant 3 : i32
    %dma_start3A_204 = arith.constant 0 : i32
    %dma_start3A_205 = arith.constant 0 : i32
    %dma_start3A_206 = tpu.memref_slice %arg6[%dma_start3A_202, %dma_start3A_204, %dma_start3A_205] : memref<4x256x64xf32, #tpu.memory_space<vmem>> -> memref<1x256x64xf32, #tpu.memory_space<vmem>>
    %dma_start3A_207 = tpu.memref_squeeze %dma_start3A_206 : memref<1x256x64xf32, #tpu.memory_space<vmem>> -> memref<256x64xf32, #tpu.memory_space<vmem>>
    %dma_start3A_208 = arith.constant 0 : i32
    %dma_start3A_209 = tpu.memref_slice %arg4[%add3A_201, %dma_start3A_208] : memref<819200x128xf32, #tpu.memory_space<hbm>> -> memref<256x64xf32, #tpu.memory_space<hbm>>
    %dma_start3A_210 = tpu.memref_slice %arg8[%dma_start3A_203] : memref<4x!tpu.dma_semaphore, #tpu.memory_space<semaphore_mem>> -> memref<1x!tpu.dma_semaphore, #tpu.memory_space<semaphore_mem>>
    %dma_start3A_211 = tpu.memref_squeeze %dma_start3A_210 : memref<1x!tpu.dma_semaphore, #tpu.memory_space<semaphore_mem>> -> memref<!tpu.dma_semaphore, #tpu.memory_space<semaphore_mem>>
    %dma_start3A_212 = arith.constant 0 : i32
    %dma_start3A_213 = tpu.memref_slice %arg4[%add3A_201, %dma_start3A_212] : memref<819200x128xf32, #tpu.memory_space<hbm>> -> memref<256x64xf32, #tpu.memory_space<hbm>>
    %dma_start3A_214 = arith.constant 0 : i32
    %dma_start3A_215 = arith.constant 0 : i32
    %dma_start3A_216 = tpu.memref_slice %arg6[%dma_start3A_202, %dma_start3A_214, %dma_start3A_215] : memref<4x256x64xf32, #tpu.memory_space<vmem>> -> memref<1x256x64xf32, #tpu.memory_space<vmem>>
    %dma_start3A_217 = tpu.memref_squeeze %dma_start3A_216 : memref<1x256x64xf32, #tpu.memory_space<vmem>> -> memref<256x64xf32, #tpu.memory_space<vmem>>
    tpu.enqueue_dma source(%dma_start3A_217 : memref<256x64xf32, #tpu.memory_space<vmem>>) target(%dma_start3A_213 : memref<256x64xf32, #tpu.memory_space<hbm>>) target_semaphore(%dma_start3A_211 : memref<!tpu.dma_semaphore, #tpu.memory_space<semaphore_mem>>)
    %dma_wait3A_218 = arith.constant 2 : i32
    %dma_wait3A_219 = arith.constant 2 : i32
    %dma_wait3A_220 = arith.constant 0 : i32
    %dma_wait3A_221 = arith.constant 0 : i32
    %dma_wait3A_222 = tpu.memref_slice %arg6[%dma_wait3A_218, %dma_wait3A_220, %dma_wait3A_221] : memref<4x256x64xf32, #tpu.memory_space<vmem>> -> memref<1x256x64xf32, #tpu.memory_space<vmem>>
    %dma_wait3A_223 = tpu.memref_squeeze %dma_wait3A_222 : memref<1x256x64xf32, #tpu.memory_space<vmem>> -> memref<256x64xf32, #tpu.memory_space<vmem>>
    %dma_wait3A_224 = arith.constant 0 : i32
    %dma_wait3A_225 = arith.constant 0 : i32
    %dma_wait3A_226 = tpu.memref_slice %arg4[%dma_wait3A_224, %dma_wait3A_225] : memref<819200x128xf32, #tpu.memory_space<hbm>> -> memref<256x64xf32, #tpu.memory_space<hbm>>
    %dma_wait3A_227 = tpu.memref_slice %arg8[%dma_wait3A_219] : memref<4x!tpu.dma_semaphore, #tpu.memory_space<semaphore_mem>> -> memref<1x!tpu.dma_semaphore, #tpu.memory_space<semaphore_mem>>
    %dma_wait3A_228 = tpu.memref_squeeze %dma_wait3A_227 : memref<1x!tpu.dma_semaphore, #tpu.memory_space<semaphore_mem>> -> memref<!tpu.dma_semaphore, #tpu.memory_space<semaphore_mem>>
    %dma_wait3A_229 = arith.constant 0 : i32
    %dma_wait3A_230 = arith.constant 0 : i32
    %dma_wait3A_231 = tpu.memref_slice %arg4[%dma_wait3A_229, %dma_wait3A_230] : memref<819200x128xf32, #tpu.memory_space<hbm>> -> memref<256x64xf32, #tpu.memory_space<hbm>>
    %dma_wait3A_232 = arith.constant 0 : i32
    %dma_wait3A_233 = arith.constant 0 : i32
    %dma_wait3A_234 = tpu.memref_slice %arg6[%dma_wait3A_218, %dma_wait3A_232, %dma_wait3A_233] : memref<4x256x64xf32, #tpu.memory_space<vmem>> -> memref<1x256x64xf32, #tpu.memory_space<vmem>>
    %dma_wait3A_235 = tpu.memref_squeeze %dma_wait3A_234 : memref<1x256x64xf32, #tpu.memory_space<vmem>> -> memref<256x64xf32, #tpu.memory_space<vmem>>
    tpu.wait_dma2 semaphore(%dma_wait3A_228 : memref<!tpu.dma_semaphore, #tpu.memory_space<semaphore_mem>>) src(%dma_wait3A_235 : memref<256x64xf32, #tpu.memory_space<vmem>>) dst(%dma_wait3A_231 : memref<256x64xf32, #tpu.memory_space<hbm>>)
    %dma_wait3A_236 = arith.constant 3 : i32
    %dma_wait3A_237 = arith.constant 3 : i32
    %dma_wait3A_238 = arith.constant 0 : i32
    %dma_wait3A_239 = arith.constant 0 : i32
    %dma_wait3A_240 = tpu.memref_slice %arg6[%dma_wait3A_236, %dma_wait3A_238, %dma_wait3A_239] : memref<4x256x64xf32, #tpu.memory_space<vmem>> -> memref<1x256x64xf32, #tpu.memory_space<vmem>>
    %dma_wait3A_241 = tpu.memref_squeeze %dma_wait3A_240 : memref<1x256x64xf32, #tpu.memory_space<vmem>> -> memref<256x64xf32, #tpu.memory_space<vmem>>
    %dma_wait3A_242 = arith.constant 0 : i32
    %dma_wait3A_243 = arith.constant 0 : i32
    %dma_wait3A_244 = tpu.memref_slice %arg4[%dma_wait3A_242, %dma_wait3A_243] : memref<819200x128xf32, #tpu.memory_space<hbm>> -> memref<256x64xf32, #tpu.memory_space<hbm>>
    %dma_wait3A_245 = tpu.memref_slice %arg8[%dma_wait3A_237] : memref<4x!tpu.dma_semaphore, #tpu.memory_space<semaphore_mem>> -> memref<1x!tpu.dma_semaphore, #tpu.memory_space<semaphore_mem>>
    %dma_wait3A_246 = tpu.memref_squeeze %dma_wait3A_245 : memref<1x!tpu.dma_semaphore, #tpu.memory_space<semaphore_mem>> -> memref<!tpu.dma_semaphore, #tpu.memory_space<semaphore_mem>>
    %dma_wait3A_247 = arith.constant 0 : i32
    %dma_wait3A_248 = arith.constant 0 : i32
    %dma_wait3A_249 = tpu.memref_slice %arg4[%dma_wait3A_247, %dma_wait3A_248] : memref<819200x128xf32, #tpu.memory_space<hbm>> -> memref<256x64xf32, #tpu.memory_space<hbm>>
    %dma_wait3A_250 = arith.constant 0 : i32
    %dma_wait3A_251 = arith.constant 0 : i32
    %dma_wait3A_252 = tpu.memref_slice %arg6[%dma_wait3A_236, %dma_wait3A_250, %dma_wait3A_251] : memref<4x256x64xf32, #tpu.memory_space<vmem>> -> memref<1x256x64xf32, #tpu.memory_space<vmem>>
    %dma_wait3A_253 = tpu.memref_squeeze %dma_wait3A_252 : memref<1x256x64xf32, #tpu.memory_space<vmem>> -> memref<256x64xf32, #tpu.memory_space<vmem>>
    tpu.wait_dma2 semaphore(%dma_wait3A_246 : memref<!tpu.dma_semaphore, #tpu.memory_space<semaphore_mem>>) src(%dma_wait3A_253 : memref<256x64xf32, #tpu.memory_space<vmem>>) dst(%dma_wait3A_249 : memref<256x64xf32, #tpu.memory_space<hbm>>)
    return
  }
}

</mosaic_0001>

<sc_bundles>
// kernel: kernel.3.cloned.1.call-start
scs
__scs_entry_jumppad:
0x0: {  	(pc) =	sbr.rel $0x88, $3  }
0x1: {  	(tag) =	ssettag $0x0;
	lr =	simm.s32 $0x1  }
0x2: {  	[smem:$0x3F9F] =	sst lr;
	_ =	strace $0xD0000000  }
0x3: {  	_ = 	snop  }
0x4: {  	_ = 	snop  }
0x5: {  	_ = 	snop  }
0x6: {  	_ = 	snop  }
0x7: {  	_ = 	snop  }
__scs_overlays_trampoline_lowered:
0x8: {  	[smem:$0x3FAE] =	sst s0  }
0x9: {  	[smem:$0x3FAF] =	sst s1  }
0xa: {  	[smem:$0x3FB0] =	sst s2  }
0xb: {  	[smem:$0x3FB1] =	sst s3  }
0xc: {  	[smem:$0x3FB2] =	sst s4  }
0xd: {  	[smem:$0x3FB3] =	sst s5  }
0xe: {  	[smem:$0x3FB4] =	sst s6  }
0xf: {  	[smem:$0x3FB5] =	sst s7  }
0x10: {  	[smem:$0x3FB6] =	sst s8  }
0x11: {  	[smem:$0x3FB7] =	sst s9;
	s0 =	simm.s32 @!p0 $0x0  }
0x12: {  	s1 =	sld [smem:$0x3F9D];
	s0 =	simm.s32 @p0 $0x1  }
0x13: {  	[smem:$0x3FB8] =	sst s0;
	s0 =	simm.s32 @!p1 $0x0  }
0x14: {  	s2 =	sld [smem:$0x3F9C];
	s0 =	simm.s32 @p1 $0x1  }
0x15: {  	[smem:$0x3FB9] =	sst s0;
	s0 =	simm.s32 @!p2 $0x0  }
0x16: {  	s3 =	sld [smem:$0x3FDB];
	s0 =	simm.s32 @p2 $0x1  }
0x17: {  	s4 =	simm.s32 $0x1BF5;
	[smem:$0x3FBB] =	sst s0  }
0x18: {  	s0 =	sld [smem:$0x3F9E];
	_ =	swait.ge [sflag:s4], $0x0  }
0x19: {  	s7 =	sld [smem:$0x3F9F]  }
0x1a: {  	s8 =	sadd.s32 $0xFFFFE003, lr  }
0x1b: {  	s9 =	sadd.s32 $0xFFFFFEF7, lr;
	s5 =	simm.s32 $0xFFFFFFFF;
	p2 =	slt.u32 s8, $0xFFFFF086  }
0x1c: {  	p1 =	slt.u32 s9, $0xF7A;
	s5 =	simm.s32 @!p2 $0x0  }
0x1d: {  	s5 =	simm.s32 @p1 $0x1;
	p0 =	seq.s32 s7, s2  }
0x1e: {  	s7 =	smul.u32 @!p0 $0xF7A, s2;
	p2 =	seq.s32 @!p0 s5, $0x0  }
0x1f: {  	s9 =	smul.u32 $0xF7A, s1;
	s8 =	simm.s32 @!p0 $0x1BF5;
	p2 =	por !p2, p0  }
0x20: {  	[sflag:s8] =	ssyncset.s32 @!p0 $0xFFFFF086;
	s6 =	sadd.s32 @!p0 s3, s7;
	s7 =	simm.s32 @!p0 $0x108  }
0x21: {  	s3 =	sadd.s32 s3, s9;
	s6 =	sadd.s32 @!p0 $0x88, s6;
	s7 =	simm.s32 @p2 $0x1082  }
0x22: {  	[simem:s7], [sflag:s8] =	dma.local @!p0 [hbm:s6], $0xF7A  }
0x23: {  	s9 =	sor.u32 $0xD0000000, s2;
	s6 =	simm.s32 $0x108;
	_ =	swait.ge @!p0 [sflag:s8], $0x0  }
0x24: {  	s3 =	sadd.s32 $0x88, s3;
	s6 =	simm.s32 @!p1 $0x1082;
	[sflag:s4] =	ssyncset.s32 $0xFFFFF086  }
0x25: {  	[simem:s6], [sflag:s4] =	dma.local [hbm:s3], $0xF7A  }
0x26: {  	[smem:$0x3F9F] =	sst s1;
	(tag) =	ssettag s2;
	_ =	strace s9  }
0x27: {  	s1 =	sld [smem:$0x3FAF]  }
0x28: {  	s2 =	sld [smem:$0x3FB0]  }
0x29: {  	s4 =	sld [smem:$0x3FB2]  }
0x2a: {  	p0 =	seq.s32 s5, $0x0;
	s5 =	sld [smem:$0x3FB3]  }
0x2b: {  	s6 =	sld [smem:$0x3FB4]  }
0x2c: {  	s7 =	sld [smem:$0x3FB5]  }
0x2d: {  	s3 =	simm.s32 $0x108;
	s8 =	sld [smem:$0x3FB6]  }
0x2e: {  	s3 =	simm.s32 @!p0 $0x1082;
	s9 =	sld [smem:$0x3FB7]  }
0x2f: {  	lr =	sadd.s32 s0, s3;
	s0 =	sld [smem:$0x3FAE]  }
0x30: {  	s3 =	sld [smem:$0x3FB1]  }
0x31: {  	[smem:$0x3FBA] =	sst s10  }
0x32: {  	s10 =	sld [smem:$0x3FB8];
	_ =	sdelay $0x3  }
0x33: {  	p0 =	seq.s32 s10, $0x1;
	s10 =	sld [smem:$0x3FBA];
	_ =	sdelay $0x3  }
0x34: {  	[smem:$0x3FBA] =	sst s10  }
0x35: {  	s10 =	sld [smem:$0x3FB9];
	_ =	sdelay $0x3  }
0x36: {  	p1 =	seq.s32 s10, $0x1;
	s10 =	sld [smem:$0x3FBA];
	_ =	sdelay $0x3  }
0x37: {  	[smem:$0x3FBA] =	sst s10  }
0x38: {  	s10 =	sld [smem:$0x3FBB]  }
0x39: {  	_ = 	snop;
	(pc) =	sbr.ind lr, $3  }
0x3a: {  	_ = 	snop  }
0x3b: {  	_ = 	snop  }
0x3c: {  	p2 =	seq.s32 s10, $0x1;
	s10 =	sld [smem:$0x3FBA]  }
0x3d: {  	_ =	shalt  }
0x3e: {  	_ =	shalt  }
0x3f: {  	_ =	shalt  }
0x40: {  	_ =	shalt  }
0x41: {  	_ =	shalt  }
0x42: {  	_ =	shalt  }
0x43: {  	_ =	shalt  }
0x44: {  	_ =	shalt  }
0x45: {  	_ =	shalt  }
0x46: {  	_ =	shalt  }
0x47: {  	_ =	shalt  }
0x48: {  	_ =	shalt  }
0x49: {  	_ =	shalt  }
0x4a: {  	_ =	shalt  }
0x4b: {  	_ =	shalt  }
0x4c: {  	_ =	shalt  }
0x4d: {  	_ =	shalt  }
0x4e: {  	_ =	shalt  }
0x4f: {  	_ =	shalt  }
0x50: {  	_ =	shalt  }
0x51: {  	_ =	shalt  }
0x52: {  	_ =	shalt  }
0x53: {  	_ =	shalt  }
0x54: {  	_ =	shalt  }
0x55: {  	_ =	shalt  }
0x56: {  	_ =	shalt  }
0x57: {  	_ =	shalt  }
0x58: {  	_ =	shalt  }
0x59: {  	_ =	shalt  }
0x5a: {  	_ =	shalt  }
0x5b: {  	_ =	shalt  }
0x5c: {  	_ =	shalt  }
0x5d: {  	_ =	shalt  }
0x5e: {  	_ =	shalt  }
0x5f: {  	_ =	shalt  }
0x60: {  	_ =	shalt  }
0x61: {  	_ =	shalt  }
0x62: {  	_ =	shalt  }
0x63: {  	_ =	shalt  }
0x64: {  	_ =	shalt  }
0x65: {  	_ =	shalt  }
0x66: {  	_ =	shalt  }
0x67: {  	_ =	shalt  }
0x68: {  	_ =	shalt  }
0x69: {  	_ =	shalt  }
0x6a: {  	_ =	shalt  }
0x6b: {  	_ =	shalt  }
0x6c: {  	_ =	shalt  }
0x6d: {  	_ =	shalt  }
0x6e: {  	_ =	shalt  }
0x6f: {  	_ =	shalt  }
0x70: {  	_ =	shalt  }
0x71: {  	_ =	shalt  }
0x72: {  	_ =	shalt  }
0x73: {  	_ =	shalt  }
0x74: {  	_ =	shalt  }
0x75: {  	_ =	shalt  }
0x76: {  	_ =	shalt  }
0x77: {  	_ =	shalt  }
0x78: {  	_ =	shalt  }
0x79: {  	_ =	shalt  }
0x7a: {  	_ =	shalt  }
0x7b: {  	_ =	shalt  }
0x7c: {  	_ =	shalt  }
0x7d: {  	_ =	shalt  }
0x7e: {  	_ =	shalt  }
0x7f: {  	_ =	shalt  }
0x80: {  	_ =	shalt  }
0x81: {  	_ =	shalt  }
0x82: {  	_ =	shalt  }
0x83: {  	_ =	shalt  }
0x84: {  	_ =	shalt  }
0x85: {  	_ =	shalt  }
0x86: {  	_ =	shalt  }
0x87: {  	_ =	shalt  }
.Lfunc_end0:
.L_simem_size_0:
called_computation.1_lowered:
.L_overlay_start_0:
0x88: {  	s2 =	sld [smem:$0x3FD9]  }
0x89: {  	s3 =	sld [smem:$0x3FFE];
	_ =	sdelay $0x1  }
0x8a: {  	s1 =	srdreg.scid  }
0x8b: {  	s0 =	sand.u32 $0x1, s1  }
0x8c: {  	s17 =	sshll.u32 s0, $0xA;
	s2 =	sadd.s32 s3, s2  }
0x8d: {  	s2 =	sadd.s32 s2, s17  }
0x8e: {  	[smem:$0x3FC6] =	sst s2  }
0x8f: {  	_ = 	snop  }
0x90: {  	s2 =	sld [smem:$0x3FD0];
	(tm) =	ssettm $0x1  }
0x91: {  	s18 =	sld [smem:$0x3FFB];
	_ =	sdelay $0x3  }
0x92: {  	_ =	strace s18  }
0x93: {  	s3 =	sld [smem:$0x3FFC];
	_ =	sdelay $0x3  }
0x94: {  	_ =	strace s3  }
0x95: {  	s3 =	sld [smem:$0x3FFD];
	_ =	sdelay $0x3  }
0x96: {  	_ =	strace s3  }
0x97: {  	_ =	strace $0x8FFFFFFF  }
0x98: {  	s19 =	sld [smem:$0x3FDB];
	_ =	sdelay $0x1  }
0x99: {  	s4 =	simm.s32 $_scs_section_size  }
0x9a: {  	s5 =	simm.s32 $_size__tile_overlayer_lowered;
	s6 =	simm.s32 $_tile_overlayer_lowered  }
0x9b: {  	s22 =	simm.s32 $0x1BFF;
	s21 =	sshll.u32 s6, $0x1;
	s3 =	sadd.s32 s4, s19  }
0x9c: {  	s7 =	simm.s32 $0x0;
	s20 =	sshll.u32 s5, $0x1;
	s5 =	sadd.s32 s21, s3  }
0x9d: {  	[timem:s7], [sflag:s22] =	dma.local [hbm:s5], s20  }
0x9e: {  	_ =	swait.ge [sflag:s22], s20  }
0x9f: {  	s4 =	ssub.s32 $0x0, s20;
	[sflag:s22] =	ssyncset.done $0x0  }
0xa0: {  	[sflag:s22] =	ssyncadd.s32 s4;
	_ =	sdelay $0x1  }
0xa1: {  	s23 =	simm.s32 $0x1B8B  }
0xa2: {  	_ =	swait.ge [sflag:s23], $0x1  }
0xa3: {  	[sflag:s23] =	ssyncset.done $0x0  }
0xa4: {  	s25 =	simm.s32 $0x1B8E;
	s24 =	sld [smem:$0x3FFE];
	[sflag:s23] =	ssyncadd.s32 $0xFFFFFFFF  }
0xa5: {  	s26 =	simm.s32 $execute0_lowered;
	[smem:$0x3FD2] =	sst s25  }
0xa6: {  	s5 =	sshll.u32 s26, $0x1;
	_ =	strace $0x80000046;
	[dreg:$0x1] =	wrdreg $0xFFFFFFFF  }
0xa7: {  	s28 =	simm.s32 $_size_execute0_lowered;
	s3 =	sadd.s32 s3, s5;
	[dreg:$0x0] =	wrdreg $0x0  }
0xa8: {  	s5 =	sshll.u32 s28, $0x1;
	[dreg:$0x2] =	wrdreg s3  }
0xa9: {  	[dreg:$0x3] =	wrdreg s5  }
0xaa: {  	[dreg:$0x4] =	wrdreg $0xC0  }
0xab: {  	_ =	task [dreg:s7], $0x5FFFF  }
0xac: {  	[dreg:$0x1] =	wrdreg $0xFFFFFFFF  }
0xad: {  	[dreg:$0x0] =	wrdreg $0x60  }
0xae: {  	[dreg:$0x2] =	wrdreg s24  }
0xaf: {  	[dreg:$0x3] =	wrdreg s2  }
0xb0: {  	[dreg:$0x4] =	wrdreg $0x9  }
0xb1: {  	_ =	task.clear_ibuf [dreg:s7], $0x5FFFF;
	_ =	strace $0x90000046  }
0xb2: {  	s29 =	simm.s32 $0x9;
	_ =	strace $0x80000048  }
0xb3: {  	_ =	swait.ge [sflag:s29], $0x1  }
0xb4: {  	[sflag:s29] =	ssyncadd.s32 $0xFFFFFFFF  }
0xb5: {  	_ =	strace $0x90000048  }
0xb6: {  	_ =	sfence  }
0xb7: {  	s30 =	sld [smem:$0x0];
	_ =	sdelay $0x2  }
0xb8: {  	s31 =	sshll.u32 s1, $0xD;
	s1 =	sshrl.u32 s1, $0x2  }
0xb9: {  	s3 =	sand.u32 $0x4000, s31;
	s1 =	sadd.s32 s1, s30  }
0xba: {  	s0 =	sor.u32 s3, s0;
	s1 =	sshll.u32 s1, $0x11  }
0xbb: {  	s0 =	sor.u32 s1, s0  }
0xbc: {  	s0 =	sadd.s32 $0x8F2B, s0  }
0xbd: {  	[sflag:s0] =	ssyncadd.remote.s32 $0x1  }
0xbe: {  	_ =	sfence.sel $0xFFFF  }
0xbf: {  	[dreg:$0x0] =	wrdreg $0xFFFFFFFF;
	(pc) =	sbr.abs _section_cstart, $3  }
0xc0: {  	[dreg:$0x1] =	wrdreg $0xFFFFFFFF  }
0xc1: {  	_ =	task.clear_ibuf [dreg:s7], $0x2FFFF;
	_ =	strace $0x9FFFFFFF  }
0xc2: {  	(tm) =	ssettm $0x7FFFFFFF  }
0xc3: {  	_ =	shalt  }
tec
execute0_lowered:
.L_overlay_start_1:
0x0: {  	(tag) =	ssettag $0x1  }
0x1: {  	s0 =	rddreg [dreg:$0x0]  }
0x2: {  	s1 =	rddreg [dreg:$0x1];
	s2 =	simm.s32 $0x0;
	s3 =	srdreg.scid  }
0x3: {  	s10 =	stileid.u32;
	s12 =	simm.s32 $0x9;
	s13 =	simm.s32 $0x100  }
0x4: {  	s28 =	simm.s32 $0x4;
	s29 =	simm.s32 $0x7;
	s30 =	simm.s32 $0x8  }
0x5: {  	s31 =	simm.s32 $0x0;
	[smem:$0x7FF] =	sst s2;
	s9 =	smul.u32 $0xC8000, s10  }
0x6: {  	s4 =	sand.u32 $0x1, s3;
	s18 =	sshll.u32 s10, $0x1;
	s19 =	smul.u32 $0x640000, s10  }
0x7: {  	s3 =	sadd.s32 $0xF42E00, s0;
	s0 =	sadd.s32 $0xA00, s0;
	s21 =	smul.u32 $0x320000, s4  }
0x8: {  	s5 =	sor.u32 s4, s18;
	s7 =	ssub.s32 $0x2, s4;
	s4 =	smul.u32 $0x64000, s4  }
0x9: {  	_ =	strace $0x80000047;
	s6 =	smul.u32 $0x320000, s5;
	s8 =	sshrl.u32 s7, $0x1  }
0xa: {  	s5 =	smul.u32 $0xC80, s5;
	s25 =	sadd.s32 s9, s0;
	s7 =	ssub.s32 s7, s8  }
0xb: {  	s4 =	sadd.s32 s4, s25;
	s25 =	simm.s32 $0x6;
	s6 =	sshrl.u32 s6, $0x3  }
0xc: {  	s1 =	sadd.s32 s1, s5;
	s26 =	smax.u32 s7, $0x1;
	s10 =	sadd.s32 $0x1000, s4  }
0xd: {  	s4 =	simm.s32 $0xA400;
	s6 =	sadd.s32 s0, s6;
	[dreg:$0x3] =	wrdreg s1  }
0xe: {  	s5 =	simm.s32 $0xE400;
	[dreg:$0x8] =	wrdreg s26;
	s20 =	sadd.s32 $0x60000, s6  }
0xf: {  	s1 =	sadd.s32 s21, s19;
	s22 =	sadd.s32 $0x61000, s6;
	[dreg:$0x4] =	wrdreg s20  }
0x10: {  	s19 =	simm.s32 $0x12400;
	s23 =	sadd.s32 $0x62000, s6;
	[dreg:$0x5] =	wrdreg s22  }
0x11: {  	s21 =	simm.s32 $0x80;
	s24 =	sadd.s32 $0x63000, s6;
	[dreg:$0x6] =	wrdreg s23  }
0x12: {  	s26 =	simm.s32 $0x3;
	s1 =	sshrl.u32 s1, $0x3;
	[dreg:$0x7] =	wrdreg s24  }
0x13: {  	s11 =	sadd.s32 s1, s0;
	s1 =	simm.s32 $0x6400;
	s20 =	simm.s32 $0x40  }
0x14: {  	s22 =	simm.s32 $0x1;
	s23 =	simm.s32 $0x2;
	s24 =	simm.s32 $0x5  }
.LBB2_1:
0x15: {  	s0 =	rddreg [dreg:$0x3]  }
0x16: {  	[tilespmem:s2], [sflag:$0x9] =	stream.linear.gather [hbm4b:s0+s2], $0x6400, $0x38;
	[tilespmem:$0x16400] =	vst v63  }
0x17: {  	_ =	swait.ge [sflag:s12], $0x6400  }
0x18: {  	[sflag:s12] =	ssyncset.done $0x0  }
0x19: {  	[sflag:s12] =	ssyncadd.s32 $0xFFFF9C00  }
0x1a: {  	[tilespmem:s1], [sflag:$0x1] =	stream.indirect.gather [hbm4b:s3+s13], $0x40, s2, s13, $0xb8;
	[tilespmem:$0x16400] =	vst v63  }
0x1b: {  	_ = 	snop  }
0x1c: {  	[tilespmem:s4], [sflag:$0x2] =	stream.indirect.gather [hbm4b:s3+s13], $0x40, s13, s13, $0xb8;
	[tilespmem:$0x16400] =	vst v63  }
0x1d: {  	s8 =	simm.s32 $0x200;
	s14 =	sand.u32 $0x2, s2  }
0x1e: {  	[tilespmem:s5], [sflag:$0x3] =	stream.indirect.gather [hbm4b:s3+s13], $0x40, s8, s13, $0xb8;
	[tilespmem:$0x16400] =	vst v63  }
0x1f: {  	s9 =	simm.s32 $0x300;
	s15 =	sor.u32 $0x1, s14  }
0x20: {  	[tilespmem:s19], [sflag:$0x4] =	stream.indirect.gather [hbm4b:s3+s13], $0x40, s9, s13, $0xb8;
	[tilespmem:$0x16400] =	vst v63  }
0x21: {  	_ =	swait.ge [sflag:s15], $0x4000  }
0x22: {  	s16 =	sshll.u32 s14, $0xE;
	s18 =	sor.u32 $0x5, s14;
	[sflag:s15] =	ssyncset.done $0x0  }
0x23: {  	s16 =	sor.u32 $0x6400, s16;
	s1 =	sadd.s32 $0x2, s14;
	[sflag:s15] =	ssyncadd.s32 $0xFFFFC000  }
0x24: {  	[hbm4b:s11+s20] =	stream.strided.scatter [tilespmem:s16], [sflag:s18], $0x4000, s21, s20, $0x38;
	[tilespmem:$0x16400] =	vst v63  }
0x25: {  	_ =	swait.ge [sflag:s1], $0x4000  }
0x26: {  	s17 =	sshll.u32 s15, $0xE;
	[sflag:s1] =	ssyncset.done $0x0  }
0x27: {  	s7 =	sadd.s32 $0x6, s14;
	s6 =	sadd.s32 $0x6400, s17;
	[sflag:s1] =	ssyncadd.s32 $0xFFFFC000  }
0x28: {  	[hbm4b:s10+s20] =	stream.strided.scatter [tilespmem:s6], [sflag:s7], $0x4000, s21, s20, $0x38;
	[tilespmem:$0x16400] =	vst v63  }
0x29: {  	_ =	swait.ge [sflag:s18], $0x4000  }
0x2a: {  	s0 =	simm.s32 $0x700;
	s5 =	simm.s32 $0x500;
	[sflag:s18] =	ssyncset.done $0x0  }
0x2b: {  	s9 =	simm.s32 $0x2;
	[sflag:s18] =	ssyncadd.s32 $0xFFFFC000;
	s18 =	simm.s32 $0x400  }
0x2c: {  	[tilespmem:s16], [sflag:s15] =	stream.indirect.gather [hbm4b:s3+s13], $0x40, s18, s13, $0xb8;
	[tilespmem:$0x16400] =	vst v63  }
0x2d: {  	s8 =	simm.s32 $0x4;
	s4 =	sand.u32 $0x2, s9;
	_ =	swait.ge [sflag:s7], $0x4000  }
0x2e: {  	s18 =	sadd.s32 $0x2000, s11;
	s16 =	sadd.s32 $0x2000, s10;
	[sflag:s7] =	ssyncset.done $0x0  }
.LBB2_2:
0x2f: {  	s9 =	sor.u32 $0x1, s4  }
0x30: {  	[sflag:s7] =	ssyncadd.s32 $0xFFFFC000;
	s14 =	smov.u32 s8;
	s15 =	sadd.s32 $0x2, s8  }
0x31: {  	[tilespmem:s6], [sflag:s1] =	stream.indirect.gather [hbm4b:s3+s13], $0x40, s5, s13, $0xb8;
	[tilespmem:$0x16400] =	vst v63  }
0x32: {  	p0 =	sne.s32 s8, $0x5E;
	s6 =	sshll.u32 s9, $0xE;
	_ =	swait.ge [sflag:s9], $0x4000  }
0x33: {  	s5 =	sshll.u32 s4, $0xE;
	s1 =	sadd.s32 $0x2, s4;
	[sflag:s9] =	ssyncset.done $0x0  }
0x34: {  	s17 =	sor.u32 $0x5, s4;
	s8 =	sor.u32 $0x6400, s5;
	[sflag:s9] =	ssyncadd.s32 $0xFFFFC000  }
0x35: {  	[hbm4b:s18+s20] =	stream.strided.scatter [tilespmem:s8], [sflag:s17], $0x4000, s21, s20, $0x38;
	[tilespmem:$0x16400] =	vst v63  }
0x36: {  	s5 =	smov.u32 s0;
	_ =	swait.ge [sflag:s1], $0x4000  }
0x37: {  	[sflag:s1] =	ssyncset.done $0x0  }
0x38: {  	s7 =	sadd.s32 $0x6, s4;
	s6 =	sadd.s32 $0x6400, s6;
	[sflag:s1] =	ssyncadd.s32 $0xFFFFC000  }
0x39: {  	[hbm4b:s16+s20] =	stream.strided.scatter [tilespmem:s6], [sflag:s7], $0x4000, s21, s20, $0x38;
	[tilespmem:$0x16400] =	vst v63  }
0x3a: {  	_ =	swait.ge [sflag:s17], $0x4000  }
.Ltmp0:
0x3b: {  	[sflag:s17] =	ssyncset.done $0x0;
	(pc) =	sbr.rel @p0 .LBB2_2-.Ltmp0, $4  }
0x3c: {  	s4 =	sadd.s32 $0xFFFFFF00, s0;
	s0 =	sadd.s32 $0x200, s0;
	[sflag:s17] =	ssyncadd.s32 $0xFFFFC000  }
0x3d: {  	[tilespmem:s8], [sflag:s9] =	stream.indirect.gather [hbm4b:s3+s13], $0x40, s4, s13, $0xb8;
	[tilespmem:$0x16400] =	vst v63  }
0x3e: {  	s18 =	sadd.s32 $0x2000, s18;
	s16 =	sadd.s32 $0x2000, s16;
	_ =	swait.ge [sflag:s7], $0x4000  }
0x3f: {  	s4 =	sand.u32 $0x2, s14;
	s8 =	smov.u32 s15;
	[sflag:s7] =	ssyncset.done $0x0  }
0x40: {  	[sflag:s7] =	ssyncadd.s32 $0xFFFFC000;
	s7 =	sor.u32 $0x1, s4  }
0x41: {  	[tilespmem:s6], [sflag:s1] =	stream.indirect.gather [hbm4b:s3+s13], $0x40, s5, s13, $0xb8;
	[tilespmem:$0x16400] =	vst v63  }
0x42: {  	_ =	swait.ge [sflag:s7], $0x4000  }
0x43: {  	s14 =	sshll.u32 s4, $0xE;
	s15 =	sadd.s32 $0x2, s4;
	[sflag:s7] =	ssyncset.done $0x0  }
0x44: {  	s17 =	sor.u32 $0x5, s4;
	s1 =	sor.u32 $0x6400, s14;
	[sflag:s7] =	ssyncadd.s32 $0xFFFFC000  }
0x45: {  	[hbm4b:s18+s20] =	stream.strided.scatter [tilespmem:s1], [sflag:s17], $0x4000, s21, s20, $0x38;
	[tilespmem:$0x16400] =	vst v63  }
0x46: {  	_ =	swait.ge [sflag:s15], $0x4000  }
0x47: {  	s8 =	sshll.u32 s7, $0xE;
	[sflag:s15] =	ssyncset.done $0x0  }
0x48: {  	s8 =	sadd.s32 $0x6400, s8;
	s18 =	sadd.s32 $0x6, s4;
	[sflag:s15] =	ssyncadd.s32 $0xFFFFC000  }
0x49: {  	[hbm4b:s16+s20] =	stream.strided.scatter [tilespmem:s8], [sflag:s18], $0x4000, s21, s20, $0x38;
	[tilespmem:$0x16400] =	vst v63  }
0x4a: {  	_ =	swait.ge [sflag:s17], $0x4000  }
0x4b: {  	[sflag:s17] =	ssyncset.done $0x0  }
0x4c: {  	s9 =	sadd.s32 $0xFFFFFF00, s0;
	[sflag:s17] =	ssyncadd.s32 $0xFFFFC000  }
0x4d: {  	[tilespmem:s1], [sflag:s7] =	stream.indirect.gather [hbm4b:s3+s13], $0x40, s9, s13, $0xb8;
	[tilespmem:$0x16400] =	vst v63  }
0x4e: {  	_ =	swait.ge [sflag:s18], $0x4000  }
0x4f: {  	[sflag:s18] =	ssyncset.done $0x0  }
0x50: {  	[sflag:s18] =	ssyncadd.s32 $0xFFFFC000  }
0x51: {  	[tilespmem:s8], [sflag:s15] =	stream.indirect.gather [hbm4b:s3+s13], $0x40, s0, s13, $0xb8;
	[tilespmem:$0x16400] =	vst v63  }
0x52: {  	_ =	swait.ge [sflag:s22], $0x4000  }
0x53: {  	[sflag:s22] =	ssyncset.done $0x0  }
0x54: {  	s1 =	simm.s32 $0x6400;
	s14 =	rddreg [dreg:$0x4];
	[sflag:s22] =	ssyncadd.s32 $0xFFFFC000  }
0x55: {  	[hbm4b:s14+s20] =	stream.strided.scatter [tilespmem:s1], [sflag:$0x5], $0x4000, s21, s20, $0x38;
	[tilespmem:$0x16400] =	vst v63  }
0x56: {  	_ =	swait.ge [sflag:s23], $0x4000  }
0x57: {  	[sflag:s23] =	ssyncset.done $0x0  }
0x58: {  	s4 =	simm.s32 $0xA400;
	s15 =	rddreg [dreg:$0x5];
	[sflag:s23] =	ssyncadd.s32 $0xFFFFC000  }
0x59: {  	[hbm4b:s15+s20] =	stream.strided.scatter [tilespmem:s4], [sflag:$0x6], $0x4000, s21, s20, $0x38;
	[tilespmem:$0x16400] =	vst v63  }
0x5a: {  	_ =	swait.ge [sflag:s24], $0x4000  }
0x5b: {  	[sflag:s24] =	ssyncset.done $0x0  }
0x5c: {  	[sflag:s24] =	ssyncadd.s32 $0xFFFFC000  }
0x5d: {  	_ =	swait.ge [sflag:s25], $0x4000  }
0x5e: {  	[sflag:s25] =	ssyncset.done $0x0  }
0x5f: {  	[sflag:s25] =	ssyncadd.s32 $0xFFFFC000  }
0x60: {  	_ =	swait.ge [sflag:s26], $0x4000  }
0x61: {  	[sflag:s26] =	ssyncset.done $0x0  }
0x62: {  	s5 =	simm.s32 $0xE400;
	s16 =	rddreg [dreg:$0x6];
	[sflag:s26] =	ssyncadd.s32 $0xFFFFC000  }
0x63: {  	[hbm4b:s16+s20] =	stream.strided.scatter [tilespmem:s5], [sflag:$0x7], $0x4000, s21, s20, $0x38;
	[tilespmem:$0x16400] =	vst v63  }
0x64: {  	_ =	swait.ge [sflag:s28], $0x4000  }
0x65: {  	[sflag:s28] =	ssyncset.done $0x0  }
0x66: {  	s17 =	rddreg [dreg:$0x7];
	[sflag:s28] =	ssyncadd.s32 $0xFFFFC000  }
0x67: {  	[hbm4b:s17+s20] =	stream.strided.scatter [tilespmem:s19], [sflag:$0x8], $0x4000, s21, s20, $0x38;
	[tilespmem:$0x16400] =	vst v63  }
0x68: {  	_ =	swait.ge [sflag:s29], $0x4000  }
0x69: {  	[sflag:s29] =	ssyncset.done $0x0  }
0x6a: {  	[sflag:s29] =	ssyncadd.s32 $0xFFFFC000  }
0x6b: {  	_ =	swait.ge [sflag:s30], $0x4000  }
0x6c: {  	s31 =	sadd.s32 $0x1, s31;
	s18 =	rddreg [dreg:$0x8]  }
0x6d: {  	p0 =	sne.s32 s31, s18  }
.Ltmp1:
0x6e: {  	_ = 	snop;
	(pc) =	sbr.rel @p0 .LBB2_1-.Ltmp1, $3  }
0x6f: {  	_ =	sdelay $0x1  }
0x70: {  	[sflag:s30] =	ssyncset.done $0x0  }
0x71: {  	[sflag:s30] =	ssyncadd.s32 $0xFFFFC000  }
0x72: {  	_ =	sfence.sel $0x180000  }
0x73: {  	[bflag:$0x0] =	sbarrier.arrive $0xFFFF  }
0x74: {  	_ =	strace $0x90000047  }
0x75: {  	s0 =	stileid.u32;
	[bflag:$0x2] =	sbarrier.arrive $0xFFFF  }
0x76: {  	p0 =	sne.s32 s0, $0x0;
	s0 =	rddreg [dreg:$0x2]  }
0x77: {  	s0 =	sadd.s32 @!p0 $0x100000, s0  }
0x78: {  	[sflag:s0] =	ssyncadd.tile.s32 @!p0 $0x1;
	_ =	shalt  }
.Lfunc_end2:
_tile_overlayer_lowered:
.L_overlay_start_2:
0x79: {  	(tag) =	ssettag $0x2  }
0x7a: {  	s0 =	rddreg [dreg:$0x0];
	s2 =	stileid.u32  }
0x7b: {  	s1 =	rddreg [dreg:$0x1];
	p0 =	sne.s32 s2, $0x0  }
0x7c: {  	s3 =	rddreg [dreg:$0x2];
	[bflag:$0x3] =	sbarrier.arrive $0xFFFF;
	s2 =	simm.s32 @!p0 $0x1C09  }
0x7d: {  	[timem:s3], [sflag:s2] =	dma.local @!p0 [hbm:s0], s1  }
0x7e: {  	s0 =	simm.s32 @!p0 $0x9  }
0x7f: {  	_ =	swait.ge @!p0 [sflag:s0], s1  }
0x80: {  	s1 =	ssub.s32 @!p0 $0x0, s1;
	[sflag:s0] =	ssyncset.done @!p0 $0x0  }
0x81: {  	[sflag:s0] =	ssyncadd.s32 @!p0 s1  }
0x82: {  	[bflag:$0x3] =	sbarrier.arrive $0xFFFF  }
0x83: {  	_ =	shalt  }

// kernel: sparse-core-data-format-call.cloned.1.call-start
scs
called_computation_lowered:
.L_overlay_start_0:
0x0: {  	s2 =	sld [smem:$0x3FD9]  }
0x1: {  	s3 =	sld [smem:$0x3FFE];
	_ =	sdelay $0x1  }
0x2: {  	s1 =	srdreg.scid  }
0x3: {  	s0 =	sand.u32 $0x1, s1  }
0x4: {  	s18 =	sshll.u32 s0, $0xA;
	s2 =	sadd.s32 s3, s2  }
0x5: {  	s2 =	sadd.s32 s2, s18  }
0x6: {  	[smem:$0x3FC6] =	sst s2  }
0x7: {  	_ = 	snop  }
0x8: {  	s2 =	sld [smem:$0x3FD0];
	(tm) =	ssettm $0x1  }
0x9: {  	s19 =	sld [smem:$0x3FFB];
	_ =	sdelay $0x3  }
0xa: {  	_ =	strace s19  }
0xb: {  	s3 =	sld [smem:$0x3FFC];
	_ =	sdelay $0x3  }
0xc: {  	_ =	strace s3  }
0xd: {  	s3 =	sld [smem:$0x3FFD];
	_ =	sdelay $0x3  }
0xe: {  	_ =	strace s3  }
0xf: {  	_ =	strace $0x8FFFFFFF  }
0x10: {  	s20 =	sld [smem:$0x3FDB];
	_ =	sdelay $0x1  }
0x11: {  	s4 =	simm.s32 $_scs_section_size  }
0x12: {  	s5 =	simm.s32 $_size__tile_overlayer_lowered;
	s6 =	simm.s32 $_tile_overlayer_lowered  }
0x13: {  	s23 =	simm.s32 $0x1BFF;
	s22 =	sshll.u32 s6, $0x1;
	s3 =	sadd.s32 s4, s20  }
0x14: {  	s7 =	simm.s32 $0x0;
	s21 =	sshll.u32 s5, $0x1;
	s5 =	sadd.s32 s22, s3  }
0x15: {  	[timem:s7], [sflag:s23] =	dma.local [hbm:s5], s21  }
0x16: {  	_ =	swait.ge [sflag:s23], s21  }
0x17: {  	s4 =	ssub.s32 $0x0, s21;
	[sflag:s23] =	ssyncset.done $0x0  }
0x18: {  	[sflag:s23] =	ssyncadd.s32 s4;
	_ =	sdelay $0x1  }
0x19: {  	s24 =	simm.s32 $0x1B8B  }
0x1a: {  	_ =	swait.ge [sflag:s24], $0x1  }
0x1b: {  	[sflag:s24] =	ssyncset.done $0x0  }
0x1c: {  	s26 =	simm.s32 $0x1B8E;
	s25 =	sld [smem:$0x3FFE];
	[sflag:s24] =	ssyncadd.s32 $0xFFFFFFFF  }
0x1d: {  	s27 =	simm.s32 $execute0_lowered;
	[smem:$0x3FD2] =	sst s26  }
0x1e: {  	s5 =	sshll.u32 s27, $0x1;
	_ =	strace $0x80000049;
	[dreg:$0x1] =	wrdreg $0xFFFFFFFF  }
0x1f: {  	s28 =	simm.s32 $_size_execute0_lowered;
	s3 =	sadd.s32 s3, s5;
	[dreg:$0x0] =	wrdreg $0x0  }
0x20: {  	s5 =	sshll.u32 s28, $0x1;
	[dreg:$0x2] =	wrdreg s3  }
0x21: {  	[dreg:$0x3] =	wrdreg s5  }
0x22: {  	[dreg:$0x4] =	wrdreg $0xC0  }
0x23: {  	_ =	task [dreg:s7], $0x5FFFF  }
0x24: {  	[dreg:$0x1] =	wrdreg $0xFFFFFFFF  }
0x25: {  	[dreg:$0x0] =	wrdreg $0x60  }
0x26: {  	[dreg:$0x2] =	wrdreg s25  }
0x27: {  	[dreg:$0x3] =	wrdreg s2  }
0x28: {  	[dreg:$0x4] =	wrdreg $0x9  }
0x29: {  	_ =	task.clear_ibuf [dreg:s7], $0x5FFFF;
	_ =	strace $0x90000049  }
0x2a: {  	s29 =	simm.s32 $0x9;
	_ =	strace $0x8000004B  }
0x2b: {  	_ =	swait.ge [sflag:s29], $0x1  }
0x2c: {  	[sflag:s29] =	ssyncadd.s32 $0xFFFFFFFF  }
0x2d: {  	_ =	strace $0x9000004B  }
0x2e: {  	_ =	sfence  }
0x2f: {  	s30 =	sld [smem:$0x0];
	_ =	sdelay $0x2  }
0x30: {  	s31 =	sshll.u32 s1, $0xD;
	s1 =	sshrl.u32 s1, $0x2  }
0x31: {  	s3 =	sand.u32 $0x4000, s31;
	s1 =	sadd.s32 s1, s30  }
0x32: {  	s0 =	sor.u32 s3, s0;
	s1 =	sshll.u32 s1, $0x11  }
0x33: {  	s0 =	sor.u32 s1, s0  }
0x34: {  	s0 =	sadd.s32 $0x8F2B, s0  }
0x35: {  	[sflag:s0] =	ssyncadd.remote.s32 $0x1  }
0x36: {  	_ =	sfence.sel $0xFFFF  }
0x37: {  	[dreg:$0x0] =	wrdreg $0xFFFFFFFF;
	(pc) =	sbr.abs _section_cstart, $3  }
0x38: {  	[dreg:$0x1] =	wrdreg $0xFFFFFFFF  }
0x39: {  	_ =	task.clear_ibuf [dreg:s7], $0x2FFFF;
	_ =	strace $0x9FFFFFFF  }
0x3a: {  	(tm) =	ssettm $0x7FFFFFFF  }
0x3b: {  	_ =	shalt  }
tec
execute0_lowered:
.L_overlay_start_1:
0x0: {  	(tag) =	ssettag $0x1  }
0x1: {  	s0 =	srdreg.scid  }
0x2: {  	s1 =	sshll.u32 s0, $0x4  }
0x3: {  	s0 =	stileid.u32;
	s1 =	sand.u32 $0x10, s1  }
0x4: {  	s1 =	sor.u32 s0, s1  }
0x5: {  	s6 =	rddreg [dreg:$0x0];
	s4 =	simm.s32 $0x1;
	s2 =	sshll.u32 s1, $0x7  }
0x6: {  	s7 =	simm.s32 $0x2;
	s12 =	simm.s32 $0x0;
	s1 =	ssub.s32 $0x1000, s2  }
0x7: {  	s8 =	simm.s32 $0x8000;
	s13 =	simm.s32 $0x0;
	s3 =	sand.u32 $0xF80, s1  }
0x8: {  	s9 =	simm.s32 $0x0;
	s5 =	sshrl.u32 s1, $0xC;
	p0 =	sne.s32 s3, $0x0  }
.Ltmp0:
0x9: {  	s1 =	rddreg [dreg:$0x2];
	s4 =	simm.s32 @!p0 $0x0;
	(pc) =	sbr.rel .LBB1_1-.Ltmp0, $4  }
0xa: {  	s11 =	simm.s32 $0x0;
	s3 =	rddreg [dreg:$0x1];
	s5 =	sadd.s32 s4, s5  }
0xb: {  	_ =	strace $0x8000004A;
	s4 =	simm.s32 $0x1;
	s5 =	smul.u32 $0xC8, s5  }
0xc: {  	s6 =	sadd.s32 $0xA00, s6;
	s10 =	smov.u32 s2;
	[sflag:s4] =	ssyncpa.u1 $0x0  }
0xd: {  	p0 =	por $0x0, $0x0;
	[sflag:s7] =	ssyncpa.u1 $0x0;
	s7 =	sor.u32 $0x1, s5  }
.LBB1_4:
0xe: {  	s16 =	sshll.u32 s13, $0x3;
	s17 =	sand.u32 $0x78, s13  }
0xf: {  	s30 =	sand.u32 $0x7E00, s13;
	s12 =	sshll.u32 s12, $0xF;
	s16 =	sand.u32 $0xC00, s16  }
0x10: {  	[tilespmem:s15+$0x810 ss:$0x81] =	vst.msk $0xffff, v2;
	s31 =	sand.u32 $0x7, s13;
	s16 =	sor.u32 s17, s16;
	s17 =	sadd.s32 s3, s30  }
0x11: {  	[tilespmem:s15+$0x1020 ss:$0x81] =	vst.msk $0xffff, v0;
	s13 =	sshll.u32 s31, $0x12;
	s12 =	sadd.s32 s12, s17;
	s16 =	sshrl.u32 s16, $0x3  }
0x12: {  	[tilespmem:s15+$0x0 ss:$0x81] =	vst.msk $0xffff, v1;
	s13 =	sor.u32 $0x400, s13;
	s12 =	sadd.s32 s16, s12  }
0x13: {  	[hbm4b:s12+s13] =	stream.strided.scatter [tilespmem:s14], [sflag:$0x2], $0x2000, s8, s13, $0x20;
	[tilespmem:$0x8080] =	vst v63  }
.LBB1_5:
0x14: {  	s14 =	sadd.s32 $0x1, s9  }
0x15: {  	s12 =	sadd.s32 $0x1000, s10;
	s16 =	smov.u32 s10;
	p2 =	sgt.s32 s14, $0xC7  }
0x16: {  	s16 =	smov.u32 @p2 s12  }
0x17: {  	s14 =	simm.s32 @p2 $0x0;
	p2 =	sgt.s32 s16, $0xFFF  }
0x18: {  	s16 =	smov.u32 @p2 s2;
	p2 =	sne.s32 s11, s7  }
.Ltmp1:
0x19: {  	p1 =	slt.u32 s11, $0x2;
	(pc) =	sbr.rel @!p2 .LBB1_6-.Ltmp1, $4  }
0x1a: {  	s15 =	simm.s32 @!p1 $0x2  }
0x1b: {  	s13 =	smov.u32 s10;
	p0 =	por !p0, !p0;
	_ =	swait.ge @!p1 [sflag:s15], $0x2000  }
0x1c: {  	s12 =	smov.u32 s9;
	[sflag:s15] =	ssyncset.done @!p1 $0x0;
	s9 =	smov.u32 s14  }
0x1d: {  	s11 =	sadd.s32 $0x1, s11;
	[sflag:s15] =	ssyncadd.s32 @!p1 $0xFFFFE000;
	s10 =	smov.u32 s16  }
.LBB1_1:
0x1e: {  	p1 =	sge.u32 s11, s5  }
0x1f: {  	s14 =	sand.u32 @!p1 $0x1FFFFFF, s9  }
0x20: {  	s15 =	smulhi.u32 @!p1 $0x147AE15, s14;
	_ =	sdelay $0x1  }
0x21: {  	s15 =	smul.u32 @!p1 $0xC8, s15  }
0x22: {  	s16 =	sxor.u32 @!p1 $0xFFFFFFFF, s11;
	s17 =	smul.u32 @!p1 $0xC80, s10  }
0x23: {  	s31 =	sadd.s32 $0xFFFFFFFF, s11;
	s16 =	sshll.u32 @!p1 s16, $0xD;
	s14 =	ssub.s32 @!p1 s14, s15  }
0x24: {  	s15 =	sand.u32 @!p1 $0x2000, s16;
	s16 =	sadd.s32 @!p1 s6, s17;
	s14 =	sshll.u32 @!p1 s14, $0x4  }
0x25: {  	s17 =	simm.s32 @!p1 $0x6400;
	s14 =	sadd.s32 @!p1 s14, s16;
	s16 =	simm.s32 @!p1 $0x40  }
0x26: {  	[tilespmem:s15], [sflag:$0x1] =	stream.strided.gather @!p1 [hbm4b:s14+s16], $0x2000, s17, s16, $0x38;
	[tilespmem:$0x8080] =	vst v63  }
0x27: {  	p1 =	sge.u32 s31, s5  }
.Ltmp2:
0x28: {  	_ = 	snop;
	(pc) =	sbr.rel @p1 .LBB1_5-.Ltmp2, $1  }
0x29: {  	_ =	sdelay $0x3  }
0x2a: {  	s14 =	simm.s32 $0x1  }
0x2b: {  	_ =	swait.ge [sflag:s4], $0x2000;
	s14 =	simm.s32 @!p0 $0x0  }
0x2c: {  	[sflag:s4] =	ssyncset.done $0x0;
	s15 =	sshll.u32 s14, $0xD  }
0x2d: {  	[sflag:s4] =	ssyncadd.s32 $0xFFFFE000;
	s18 =	sor.u32 $0x20, s15  }
0x2e: {  	s14 =	smul.u32 $0x8100, s14;
	v3 =	vld [tilespmem:s18+$0x10]  }
0x2f: {  	s30 =	sand.u32 $0x1, s11;
	v2 =	vld [tilespmem:s18+$0xFFFFFFF0]  }
0x30: {  	s15 =	smul.u32 $0x8100, s30;
	s14 =	sshrl.u32 s14, $0x2;
	v0 =	vld [tilespmem:s18+$0x0]  }
0x31: {  	v1 =	vld [tilespmem:s18+$0xFFFFFFE0];
	s16 =	sor.u32 $0x4000, s14  }
0x32: {  	s31 =	sshrl.u32 s15, $0x2;
	s15 =	sadd.s32 $0x0, s16  }
0x33: {  	s17 =	simm.s32 $0x4;
	s18 =	sadd.s32 $0x40, s18;
	s14 =	sor.u32 $0x4000, s31;
	[tilespmem:s15+$0x1830 ss:$0x81] =	vst.msk $0xffff, v3  }
.LBB1_3:
0x34: {  	v3 =	vld [tilespmem:s18+$0x10];
	p1 =	sne.s32 s17, $0x1FC;
	[tilespmem:s15+$0x810 ss:$0x81] =	vst.msk $0xffff, v2;
	s19 =	smov.u32 s17;
	s17 =	sadd.s32 $0x4, s17  }
.Ltmp3:
0x35: {  	v2 =	vld [tilespmem:s18+$0xFFFFFFF0];
	[tilespmem:s15+$0x1020 ss:$0x81] =	vst.msk $0xffff, v0;
	(pc) =	sbr.rel @p1 .LBB1_3-.Ltmp3, $4  }
0x36: {  	v0 =	vld [tilespmem:s18+$0x0];
	[tilespmem:s15+$0x0 ss:$0x81] =	vst.msk $0xffff, v1  }
0x37: {  	s15 =	sshra.s32 s19, $0x2;
	v1 =	vld [tilespmem:s18+$0xFFFFFFE0]  }
0x38: {  	s15 =	sadd.s32 s15, s16  }
0x39: {  	s18 =	sadd.s32 $0x40, s18;
	[tilespmem:s15+$0x1830 ss:$0x81] =	vst.msk $0xffff, v3  }
.Ltmp4:
0x3a: {  	_ = 	snop;
	(pc) =	sbr.rel .LBB1_4-.Ltmp4, $1  }
0x3b: {  	_ =	sdelay $0x3  }
.LBB1_6:
0x3c: {  	_ =	sfence.sel $0x180000  }
0x3d: {  	s2 =	simm.s32 $0x1;
	[bflag:$0x0] =	sbarrier.arrive $0xFFFF  }
0x3e: {  	s31 =	simm.s32 $0x2;
	[sflag:s2] =	ssyncpa.u1 $0x1  }
0x3f: {  	[sflag:s31] =	ssyncpa.u1 $0x1  }
0x40: {  	p0 =	sne.s32 s0, $0x0;
	_ =	strace $0x9000004A  }
0x41: {  	s0 =	sadd.s32 @!p0 $0x100000, s1;
	[bflag:$0x2] =	sbarrier.arrive $0xFFFF  }
0x42: {  	[sflag:s0] =	ssyncadd.tile.s32 @!p0 $0x1;
	_ =	shalt  }
.Lfunc_end1:
_tile_overlayer_lowered:
.L_overlay_start_2:
0x43: {  	(tag) =	ssettag $0x2  }
0x44: {  	s0 =	rddreg [dreg:$0x0];
	s2 =	stileid.u32  }
0x45: {  	s1 =	rddreg [dreg:$0x1];
	p0 =	sne.s32 s2, $0x0  }
0x46: {  	s3 =	rddreg [dreg:$0x2];
	[bflag:$0x3] =	sbarrier.arrive $0xFFFF;
	s2 =	simm.s32 @!p0 $0x1C01  }
0x47: {  	[timem:s3], [sflag:s2] =	dma.local @!p0 [hbm:s0], s1  }
0x48: {  	s0 =	simm.s32 @!p0 $0x1  }
0x49: {  	_ =	swait.ge @!p0 [sflag:s0], s1  }
0x4a: {  	s1 =	ssub.s32 @!p0 $0x0, s1;
	[sflag:s0] =	ssyncset.done @!p0 $0x0  }
0x4b: {  	[sflag:s0] =	ssyncadd.s32 @!p0 s1  }
0x4c: {  	[bflag:$0x3] =	sbarrier.arrive $0xFFFF  }
0x4d: {  	_ =	shalt  }

</sc_bundles>
